<compile_context>
chip_gen: v7x
topology: tpu7x:2x2x1
jax: 0.10.2.dev20260603
libtpu: 0.0.44.dev20260713+nightly
codegen_flags: <defaults>
</compile_context>

<pallas_src>
import numpy as np
import jax
import jax.numpy as jnp
from jax import lax
from jax.experimental import pallas as pl
from jax.experimental.pallas import tpu as pltpu
from jax.experimental.pallas import tpu_sc as plsc

_NUM_CLASSES = 19
_NCLS_PAD = 24
_CH = 256
_Q = 64 * 128
_T = 16
_KS = tuple(float(k) * 0.5 for k in range(-6, 7))
_NK = len(_KS)
_TGT_NP = np.exp(-0.5 * np.asarray(_KS, np.float64) ** 2)
_TGT_NP = (_TGT_NP / _TGT_NP.sum()).astype(np.float32).reshape(1, _NK)
_CH_BLK = 256
_SUB = 8
_GRP = _CH_BLK // _SUB
_N_CHB = _CH // _CH_BLK
_MIN_N = 1000.0
_LOG2E = float(np.log2(np.e))
_SC_CORES = 2
_SC_TILES = 32
_SC_L = 16
_QT = _Q // _SC_TILES
_LPT = _T * _QT


_HPT = _NCLS_PAD * _QT


def _sc_hist_kernel(lab_hbm, w_hbm, lab_v, hist_v, sem):
    wid = lax.axis_index("s") * _SC_CORES + lax.axis_index("c")
    pltpu.sync_copy(lab_hbm.at[wid], lab_v)

    def _zero(i, carry):
        hist_v[pl.ds(i * _SC_L, _SC_L)] = jnp.zeros((_SC_L,), jnp.float32)
        return carry

    lax.fori_loop(0, _HPT // _SC_L, _zero, 0)
    ones = jnp.full((_SC_L,), 1.0, jnp.float32)
    lanes = lax.iota(jnp.int32, _SC_L)

    def _scatter(m, carry):
        i_local = m // 32
        joff = (m // 8) % 4
        g = m % 8
        cls = plsc.load_gather(
            lab_v, [i_local * 512 + joff + 4 * (g * _SC_L + lanes)])
        q = (i_local // 4) * 128 + g * _SC_L + lanes
        plsc.addupdate_scatter(hist_v, [cls * _QT + q], ones)
        return carry

    lax.fori_loop(0, _LPT // _SC_L, _scatter, 0)
    copies = [
        pltpu.async_copy(
            hist_v.at[pl.ds(r * _QT, _QT)],
            w_hbm.at[r, pl.ds(wid * _QT, _QT)], sem)
        for r in range(_NCLS_PAD)
    ]
    for c in copies:
        c.wait()


def _sc_count_hist(lab_sc):
    mesh = plsc.VectorSubcoreMesh(core_axis_name="c", subcore_axis_name="s")
    return pl.kernel(
        _sc_hist_kernel,
        out_type=jax.ShapeDtypeStruct((_NCLS_PAD, _Q), jnp.float32),
        mesh=mesh,
        scratch_types=[
            pltpu.VMEM((_LPT,), jnp.int32),
            pltpu.VMEM((_HPT,), jnp.float32),
            pltpu.SemaphoreType.DMA,
        ],
        compiler_params=pltpu.CompilerParams(needs_layout_passes=False),
    )(lab_sc)


def _prep_kernel(w_in_ref, feat_ref, w8_ref, m1_ref, m2_ref, act_ref):
    b = pl.program_id(0)

    @pl.when(b == 0)
    def _prologue():
        n_all = jnp.sum(w_in_ref[...], axis=1, keepdims=True)
        act_ref[0, 0] = jnp.sum((n_all > 0.0).astype(jnp.float32))
        for cls in range(1, _NUM_CLASSES):
            w8_ref[cls - 1, :, :] = jnp.broadcast_to(
                w_in_ref[cls, :], (_SUB, _Q))

    f = feat_ref[...]
    nt = (((1,), (1,)), ((), ()))
    m1_ref[...] = jax.lax.dot_general(
        f, w_in_ref[...], nt, preferred_element_type=jnp.float32)
    m2_ref[...] = jax.lax.dot_general(
        f * f, w_in_ref[...], nt, preferred_element_type=jnp.float32)


def _main_kernel(w8_ref, feat_ref, m1_ref, m2_ref, act_ref, out_ref, acc_ref):
    b = pl.program_id(0)
    c = pl.program_id(1)
    cls = c + 1

    @pl.when(jnp.logical_and(b == 0, c == 0))
    def _init():
        acc_ref[0, 0] = 0.0

    w8 = w8_ref[0]
    n = jnp.sum(w8) * (1.0 / _SUB)
    nf = jnp.maximum(n, 1.0)
    lane = jax.lax.broadcasted_iota(jnp.int32, (_CH_BLK, _NCLS_PAD), 1)
    sel = (lane == cls).astype(jnp.float32)
    m1c = jnp.sum(m1_ref[...] * sel, axis=1, keepdims=True)
    m2c = jnp.sum(m2_ref[...] * sel, axis=1, keepdims=True)
    miu = m1c / nf
    var = m2c / nf - miu * miu + 1e-12
    std = jnp.sqrt(var)
    cvar = (-0.5 * 25.0) / var
    scale = jnp.sqrt(-cvar * _LOG2E)
    miu3 = miu.reshape(_GRP, _SUB, 1)
    std3 = std.reshape(_GRP, _SUB, 1)
    s3 = scale.reshape(_GRP, _SUB, 1)
    log2w = (jnp.log(w8) * _LOG2E)[None]
    f3 = feat_ref[...].reshape(_GRP, _SUB, _Q)
    fs = f3 * s3
    cols = []
    for k in _KS:
        bvs = (miu3 + k * std3) * s3
        u = bvs - fs
        e = jnp.exp2(log2w - u * u)
        cols.append(jnp.sum(e, axis=2, keepdims=True))
    s_vals = jnp.concatenate(cols, axis=2)
    inv_rs = 1.0 / jnp.sum(s_vals, axis=2, keepdims=True)
    partial = 0.0
    for i in range(_NK):
        d = cols[i] * inv_rs - float(_TGT_NP[0, i])
        ad = jnp.abs(d)
        partial += jnp.sum(jnp.where(ad < 1.0, 0.5 * d * d, ad - 0.5))
    contrib = jnp.where(n >= _MIN_N, partial / (_CH * _NK), 0.0)
    acc_ref[0, 0] = acc_ref[0, 0] + contrib

    @pl.when(jnp.logical_and(b == _N_CHB - 1, c == _NUM_CLASSES - 2))
    def _epilogue():
        out_ref[0, 0] = acc_ref[0, 0] / act_ref[0, 0]


def kernel(feature, label):
    feat = feature.reshape(_CH, _Q)
    lab_sc = label.astype(jnp.int32).reshape(_SC_TILES, _LPT)
    w24 = _sc_count_hist(lab_sc)
    w8_bc, m1, m2, act = pl.pallas_call(
        _prep_kernel,
        grid=(_N_CHB,),
        in_specs=[
            pl.BlockSpec((_NCLS_PAD, _Q), lambda b: (0, 0)),
            pl.BlockSpec((_CH_BLK, _Q), lambda b: (b, 0)),
        ],
        out_specs=[
            pl.BlockSpec((_NUM_CLASSES - 1, _SUB, _Q), lambda b: (0, 0, 0)),
            pl.BlockSpec((_CH_BLK, _NCLS_PAD), lambda b: (b, 0)),
            pl.BlockSpec((_CH_BLK, _NCLS_PAD), lambda b: (b, 0)),
            pl.BlockSpec(memory_space=pltpu.SMEM),
        ],
        out_shape=[
            jax.ShapeDtypeStruct((_NUM_CLASSES - 1, _SUB, _Q), jnp.float32),
            jax.ShapeDtypeStruct((_CH, _NCLS_PAD), jnp.float32),
            jax.ShapeDtypeStruct((_CH, _NCLS_PAD), jnp.float32),
            jax.ShapeDtypeStruct((1, 1), jnp.float32),
        ],
    )(w24, feat)
    out = pl.pallas_call(
        _main_kernel,
        grid=(_N_CHB, _NUM_CLASSES - 1),
        in_specs=[
            pl.BlockSpec((1, _SUB, _Q), lambda b, c: (c, 0, 0)),
            pl.BlockSpec((_CH_BLK, _Q), lambda b, c: (b, 0)),
            pl.BlockSpec((_CH_BLK, _NCLS_PAD), lambda b, c: (b, 0)),
            pl.BlockSpec((_CH_BLK, _NCLS_PAD), lambda b, c: (b, 0)),
            pl.BlockSpec(memory_space=pltpu.SMEM),
        ],
        out_specs=pl.BlockSpec(memory_space=pltpu.SMEM),
        out_shape=jax.ShapeDtypeStruct((1, 1), jnp.float32),
        scratch_shapes=[pltpu.SMEM((1, 1), jnp.float32)],
    )(w8_bc, feat, m1, m2, act)
    return out.reshape(())

# --- scband reference (transcript-rebuilt; emitter-appended) ---
"""Pipeline reference for scband-histogram-loss-74586402062363 (READ-ONLY COPY).

The authoritative reference and input builder live on the scoring server;
editing this copy changes nothing except your own understanding.
"""

import jax, jax.numpy as jnp
import numpy as np

NUM_CLASSES = 19
LOSS_WEIGHT = 1.0
FEATURE_DIM = 256
BIN_KS = [-3.0, -2.5, -2.0, -1.5, -1.0, -0.5, 0.0, 0.5, 1.0, 1.5, 2.0, 2.5, 3.0]


def _nearest_interp(x, out_h, out_w):
    b, c, h, w = x.shape
    rows = np.floor(np.arange(out_h) * (h / out_h)).astype(np.int32)
    cols = np.floor(np.arange(out_w) * (w / out_w)).astype(np.int32)
    x = jnp.take(x, jnp.asarray(rows), axis=2)
    x = jnp.take(x, jnp.asarray(cols), axis=3)
    return x


def _smooth_l1(pred, target):
    d = pred - target
    ad = jnp.abs(d)
    return jnp.mean(jnp.where(ad < 1.0, 0.5 * d * d, ad - 0.5))


def _loss_core(feature, label_arr):
    b, c_dim, h, w = feature.shape
    hl, wl = label_arr.shape[1], label_arr.shape[2]
    feat_up = _nearest_interp(feature, hl, wl)
    feat_flat = feat_up[0].reshape(c_dim, -1)
    lab0 = label_arr[0].reshape(-1)
    loss = jnp.asarray(0.0, dtype=jnp.float32)
    active = jnp.asarray(0, dtype=jnp.int32)
    for c in range(NUM_CLASSES):
        mask = lab0 == c
        n = jnp.sum(mask.astype(jnp.int32))
        present = n > 0
        active = active + present.astype(jnp.int32)
        if c == 0:
            # original zeroes var and skips class 0
            continue
        maskf = mask.astype(feat_flat.dtype)
        nf = jnp.maximum(n, 1).astype(feat_flat.dtype)
        feat_c = feat_flat * maskf[None, :]
        # miu / var are computed from detached stats in the original -> stop_gradient
        miu = jax.lax.stop_gradient(jnp.sum(feat_c, axis=1) / nf)
        moment2 = jax.lax.stop_gradient(jnp.sum(feat_c * feat_c, axis=1) / nf)
        var = moment2 - miu * miu + 1e-12
        std = jnp.sqrt(var)
        var_s = var / 25.0
        inv_norm_t = 1.0 / jnp.sqrt(2.0 * jnp.pi * var)
        inv_norm_s = 1.0 / jnp.sqrt(2.0 * jnp.pi * var_s)
        t_cols = []
        s_cols = []
        for k in BIN_KS:
            bin_v = miu + k * std
            t_cols.append(jnp.exp(-0.5 * (bin_v - miu) ** 2 / var) * inv_norm_t)
            s_cols.append(jnp.sum(jnp.exp(-0.5 * (bin_v[:, None] - feat_flat) ** 2 / var_s[:, None]) * inv_norm_s[:, None] * maskf[None, :], axis=1))
        target_values = jax.lax.stop_gradient(jnp.stack(t_cols, axis=1))
        sample_values = jnp.stack(s_cols, axis=1)
        hist = sample_values / jnp.sum(sample_values, axis=1, keepdims=True)
        tgt = target_values / jnp.sum(target_values, axis=1, keepdims=True)
        term = LOSS_WEIGHT * _smooth_l1(hist, tgt)
        use = jnp.logical_and(present, n >= 1000)
        loss = loss + jnp.where(use, term, jnp.asarray(0.0, dtype=jnp.float32))
    return loss / active.astype(jnp.float32)


def setup_inputs(seed: int = 0):
    key = jax.random.key(seed)
    k1, k2 = jax.random.split(key)
    feature = jax.random.normal(k1, (1, FEATURE_DIM, 64, 128), dtype=jnp.float32)
    label = jax.random.randint(k2, (1, 256, 512), 0, NUM_CLASSES, dtype=jnp.int32).astype(jnp.int64)
    return {"feature": feature, "label": label}


def reference(feature, label):
    if label.ndim > 3:
        label = label[:, 0, :, :]
    # forward-only path: feature.requires_grad is False, so no ortho rotation
    return _loss_core(feature, label)

if __name__ == "__main__":
    import jax
    _d = setup_inputs()
    print(jax.jit(kernel)(*tuple(_d.values())))

</pallas_src>

<mosaic_0001>
#map = affine_map<(d0, d1) -> (0, 0)>
module attributes {stable_mosaic.version = 14 : i64} {
  func.func @_sc_hist_kernel(%arg0: i32, %arg1: i32, %arg2: memref<32x4096xi32, #tpu.memory_space<hbm>>, %arg3: memref<24x8192xf32, #tpu.memory_space<hbm>>, %arg4: memref<4096xi32, #tpu.memory_space<vmem>>, %arg5: memref<6144xf32, #tpu.memory_space<vmem>>, %arg6: memref<!tpu.dma_semaphore, #tpu.memory_space<semaphore_mem>>) attributes {dimension_semantics = [#tpu.dimension_semantics<core_parallel>, #tpu.dimension_semantics<subcore_parallel>], iteration_bounds = array<i64: 2, 16>, scalar_prefetch = 0 : i64, scratch_operands = 3 : i64, tpu.core_type = #tpu.core_type<sc_vector_subcore>, window_params = [{transform_indices = #map}, {transform_indices = #map}]} {
    %mul3A = arith.constant 2 : i32
    %mul3A_0 = arith.muli %arg1, %mul3A : i32
    %add3A = arith.addi %mul3A_0, %arg0 : i32
    "tpu.region"() ({
      %run_scoped3A = tpu.sem_alloc : memref<!tpu.dma_semaphore, #tpu.memory_space<semaphore_mem>>
      %dma_start3A_491 = arith.constant 0 : i32
      %dma_start3A_492 = tpu.memref_slice %arg2[%add3A, %dma_start3A_491] : memref<32x4096xi32, #tpu.memory_space<hbm>> -> memref<1x4096xi32, #tpu.memory_space<hbm>>
      %dma_start3A_493 = tpu.memref_squeeze %dma_start3A_492 : memref<1x4096xi32, #tpu.memory_space<hbm>> -> memref<4096xi32, #tpu.memory_space<hbm>>
      %dma_start3A_494 = arith.constant 0 : i32
      %dma_start3A_495 = tpu.memref_slice %arg2[%add3A, %dma_start3A_494] : memref<32x4096xi32, #tpu.memory_space<hbm>> -> memref<1x4096xi32, #tpu.memory_space<hbm>>
      %dma_start3A_496 = tpu.memref_squeeze %dma_start3A_495 : memref<1x4096xi32, #tpu.memory_space<hbm>> -> memref<4096xi32, #tpu.memory_space<hbm>>
      tpu.enqueue_dma source(%dma_start3A_496 : memref<4096xi32, #tpu.memory_space<hbm>>) target(%arg4 : memref<4096xi32, #tpu.memory_space<vmem>>) target_semaphore(%run_scoped3A : memref<!tpu.dma_semaphore, #tpu.memory_space<semaphore_mem>>)
      %dma_wait3A_497 = arith.constant 0 : i32
      %dma_wait3A_498 = tpu.memref_slice %arg2[%add3A, %dma_wait3A_497] : memref<32x4096xi32, #tpu.memory_space<hbm>> -> memref<1x4096xi32, #tpu.memory_space<hbm>>
      %dma_wait3A_499 = tpu.memref_squeeze %dma_wait3A_498 : memref<1x4096xi32, #tpu.memory_space<hbm>> -> memref<4096xi32, #tpu.memory_space<hbm>>
      %dma_wait3A_500 = arith.constant 0 : i32
      %dma_wait3A_501 = tpu.memref_slice %arg2[%add3A, %dma_wait3A_500] : memref<32x4096xi32, #tpu.memory_space<hbm>> -> memref<1x4096xi32, #tpu.memory_space<hbm>>
      %dma_wait3A_502 = tpu.memref_squeeze %dma_wait3A_501 : memref<1x4096xi32, #tpu.memory_space<hbm>> -> memref<4096xi32, #tpu.memory_space<hbm>>
      tpu.wait_dma2 semaphore(%run_scoped3A : memref<!tpu.dma_semaphore, #tpu.memory_space<semaphore_mem>>) src(%dma_wait3A_502 : memref<4096xi32, #tpu.memory_space<hbm>>) dst(%arg4 : memref<4096xi32, #tpu.memory_space<vmem>>)
      tpu.yield
    }) : () -> ()
    %scan3A = arith.constant 0 : i32
    %scan3A_1 = arith.constant 0 : i32
    %scan3A_2 = arith.constant 384 : i32
    %scan3A_3 = arith.addi %scan3A_1, %scan3A_2 : i32
    %scan3A_4 = arith.constant 1 : i32
    scf.for %scan3A_491 = %scan3A_1 to %scan3A_3 step %scan3A_4  : i32 {
      %broadcast_in_dim3A_492 = arith.constant 0.000000e+00 : f32
      %broadcast_in_dim3A_493 = vector.broadcast %broadcast_in_dim3A_492 : f32 to vector<16xf32>
      %mul3A_494 = arith.constant 16 : i32
      %mul3A_495 = arith.muli %scan3A_491, %mul3A_494 : i32
      %swap3A = arith.index_cast %mul3A_495 : i32 to index
      %swap3A_496 = tpu.vector_load %arg5[%swap3A] {strides = array<i32>} : memref<6144xf32, #tpu.memory_space<vmem>>, vector<16xf32>,
      tpu.vector_store %arg5[%swap3A], %broadcast_in_dim3A_493 {strides = array<i32>} : memref<6144xf32, #tpu.memory_space<vmem>>, vector<16xf32>,
    }
    %scan3A_5 = arith.constant 384 : i32
    %broadcast_in_dim3A = arith.constant 1.000000e+00 : f32
    %broadcast_in_dim3A_6 = vector.broadcast %broadcast_in_dim3A : f32 to vector<16xf32>
    %iota3A = tpu.iota {dimensions = array<i32: 0>} : vector<16xi32>
    %scan3A_7 = arith.constant 0 : i32
    %scan3A_8 = arith.constant 0 : i32
    %scan3A_9 = arith.constant 256 : i32
    %scan3A_10 = arith.addi %scan3A_8, %scan3A_9 : i32
    %scan3A_11 = arith.constant 1 : i32
    scf.for %scan3A_491 = %scan3A_8 to %scan3A_10 step %scan3A_11  : i32 {
      %jit3A = arith.constant 32 : i32
      %div3A = arith.divsi %scan3A_491, %jit3A : i32
      %sign3A = arith.constant 0 : i32
      %sign3A_492 = arith.cmpi sgt, %scan3A_491, %sign3A : i32
      %sign3A_493 = arith.extui %sign3A_492 : i1 to i32
      %sign3A_494 = arith.constant 0 : i32
      %sign3A_495 = arith.cmpi slt, %scan3A_491, %sign3A_494 : i32
      %sign3A_496 = arith.extui %sign3A_495 : i1 to i32
      %sign3A_497 = arith.subi %sign3A_493, %sign3A_496 : i32
      %sign3A_498 = arith.constant 0 : i32
      %sign3A_499 = arith.cmpi sgt, %jit3A, %sign3A_498 : i32
      %sign3A_500 = arith.extui %sign3A_499 : i1 to i32
      %sign3A_501 = arith.constant 0 : i32
      %sign3A_502 = arith.cmpi slt, %jit3A, %sign3A_501 : i32
      %sign3A_503 = arith.extui %sign3A_502 : i1 to i32
      %sign3A_504 = arith.subi %sign3A_500, %sign3A_503 : i32
      %ne3A = arith.cmpi ne, %sign3A_497, %sign3A_504 : i32
      %rem3A = arith.remsi %scan3A_491, %jit3A : i32
      %ne3A_505 = arith.constant 0 : i32
      %ne3A_506 = arith.cmpi ne, %rem3A, %ne3A_505 : i32
      %and3A = arith.andi %ne3A, %ne3A_506 : i1
      %sub3A = arith.constant 1 : i32
      %sub3A_507 = arith.subi %div3A, %sub3A : i32
      %select_n3A = arith.select %and3A, %sub3A_507, %div3A : i32
      %jit3A_508 = arith.constant 8 : i32
      %div3A_509 = arith.divsi %scan3A_491, %jit3A_508 : i32
      %sign3A_510 = arith.constant 0 : i32
      %sign3A_511 = arith.cmpi sgt, %scan3A_491, %sign3A_510 : i32
      %sign3A_512 = arith.extui %sign3A_511 : i1 to i32
      %sign3A_513 = arith.constant 0 : i32
      %sign3A_514 = arith.cmpi slt, %scan3A_491, %sign3A_513 : i32
      %sign3A_515 = arith.extui %sign3A_514 : i1 to i32
      %sign3A_516 = arith.subi %sign3A_512, %sign3A_515 : i32
      %sign3A_517 = arith.constant 0 : i32
      %sign3A_518 = arith.cmpi sgt, %jit3A_508, %sign3A_517 : i32
      %sign3A_519 = arith.extui %sign3A_518 : i1 to i32
      %sign3A_520 = arith.constant 0 : i32
      %sign3A_521 = arith.cmpi slt, %jit3A_508, %sign3A_520 : i32
      %sign3A_522 = arith.extui %sign3A_521 : i1 to i32
      %sign3A_523 = arith.subi %sign3A_519, %sign3A_522 : i32
      %ne3A_524 = arith.cmpi ne, %sign3A_516, %sign3A_523 : i32
      %rem3A_525 = arith.remsi %scan3A_491, %jit3A_508 : i32
      %ne3A_526 = arith.constant 0 : i32
      %ne3A_527 = arith.cmpi ne, %rem3A_525, %ne3A_526 : i32
      %and3A_528 = arith.andi %ne3A_524, %ne3A_527 : i1
      %sub3A_529 = arith.constant 1 : i32
      %sub3A_530 = arith.subi %div3A_509, %sub3A_529 : i32
      %select_n3A_531 = arith.select %and3A_528, %sub3A_530, %div3A_509 : i32
      %jit3A_532 = arith.constant 4 : i32
      %eq3A = arith.constant 0 : i32
      %eq3A_533 = arith.cmpi eq, %jit3A_532, %eq3A : i32
      %jit3A_534 = arith.constant 1 : i32
      %select_n3A_535 = arith.select %eq3A_533, %jit3A_534, %jit3A_532 : i32
      %rem3A_536 = arith.remsi %select_n3A_531, %select_n3A_535 : i32
      %ne3A_537 = arith.constant 0 : i32
      %ne3A_538 = arith.cmpi ne, %rem3A_536, %ne3A_537 : i32
      %lt3A = arith.constant 0 : i32
      %lt3A_539 = arith.cmpi slt, %rem3A_536, %lt3A : i32
      %lt3A_540 = arith.constant 0 : i32
      %lt3A_541 = arith.cmpi slt, %select_n3A_535, %lt3A_540 : i32
      %ne3A_542 = arith.xori %lt3A_539, %lt3A_541 : i1
      %and3A_543 = arith.andi %ne3A_542, %ne3A_538 : i1
      %add3A_544 = arith.addi %rem3A_536, %select_n3A_535 : i32
      %select_n3A_545 = arith.select %and3A_543, %add3A_544, %rem3A_536 : i32
      %jit3A_546 = arith.constant 8 : i32
      %eq3A_547 = arith.constant 0 : i32
      %eq3A_548 = arith.cmpi eq, %jit3A_546, %eq3A_547 : i32
      %jit3A_549 = arith.constant 1 : i32
      %select_n3A_550 = arith.select %eq3A_548, %jit3A_549, %jit3A_546 : i32
      %rem3A_551 = arith.remsi %scan3A_491, %select_n3A_550 : i32
      %ne3A_552 = arith.constant 0 : i32
      %ne3A_553 = arith.cmpi ne, %rem3A_551, %ne3A_552 : i32
      %lt3A_554 = arith.constant 0 : i32
      %lt3A_555 = arith.cmpi slt, %rem3A_551, %lt3A_554 : i32
      %lt3A_556 = arith.constant 0 : i32
      %lt3A_557 = arith.cmpi slt, %select_n3A_550, %lt3A_556 : i32
      %ne3A_558 = arith.xori %lt3A_555, %lt3A_557 : i1
      %and3A_559 = arith.andi %ne3A_558, %ne3A_553 : i1
      %add3A_560 = arith.addi %rem3A_551, %select_n3A_550 : i32
      %select_n3A_561 = arith.select %and3A_559, %add3A_560, %rem3A_551 : i32
      %mul3A_562 = arith.constant 512 : i32
      %mul3A_563 = arith.muli %select_n3A, %mul3A_562 : i32
      %add3A_564 = arith.addi %mul3A_563, %select_n3A_545 : i32
      %mul3A_565 = arith.constant 16 : i32
      %mul3A_566 = arith.muli %select_n3A_561, %mul3A_565 : i32
      %add3A_567 = vector.broadcast %mul3A_566 : i32 to vector<16xi32>
      %add3A_568 = arith.addi %add3A_567, %iota3A : vector<16xi32>
      %mul3A_569 = arith.constant 4 : i32
      %mul3A_570 = vector.broadcast %mul3A_569 : i32 to vector<16xi32>
      %mul3A_571 = arith.muli %mul3A_570, %add3A_568 : vector<16xi32>
      %add3A_572 = vector.broadcast %add3A_564 : i32 to vector<16xi32>
      %add3A_573 = arith.addi %add3A_572, %mul3A_571 : vector<16xi32>
      %gather3A = tpu.vector_load_idx %arg4[%add3A_573] : memref<4096xi32, #tpu.memory_space<vmem>>[vector<16xi32>], vector<16xi32>,
      %jit3A_574 = arith.constant 4 : i32
      %div3A_575 = arith.divsi %select_n3A, %jit3A_574 : i32
      %sign3A_576 = arith.constant 0 : i32
      %sign3A_577 = arith.cmpi sgt, %select_n3A, %sign3A_576 : i32
      %sign3A_578 = arith.extui %sign3A_577 : i1 to i32
      %sign3A_579 = arith.constant 0 : i32
      %sign3A_580 = arith.cmpi slt, %select_n3A, %sign3A_579 : i32
      %sign3A_581 = arith.extui %sign3A_580 : i1 to i32
      %sign3A_582 = arith.subi %sign3A_578, %sign3A_581 : i32
      %sign3A_583 = arith.constant 0 : i32
      %sign3A_584 = arith.cmpi sgt, %jit3A_574, %sign3A_583 : i32
      %sign3A_585 = arith.extui %sign3A_584 : i1 to i32
      %sign3A_586 = arith.constant 0 : i32
      %sign3A_587 = arith.cmpi slt, %jit3A_574, %sign3A_586 : i32
      %sign3A_588 = arith.extui %sign3A_587 : i1 to i32
      %sign3A_589 = arith.subi %sign3A_585, %sign3A_588 : i32
      %ne3A_590 = arith.cmpi ne, %sign3A_582, %sign3A_589 : i32
      %rem3A_591 = arith.remsi %select_n3A, %jit3A_574 : i32
      %ne3A_592 = arith.constant 0 : i32
      %ne3A_593 = arith.cmpi ne, %rem3A_591, %ne3A_592 : i32
      %and3A_594 = arith.andi %ne3A_590, %ne3A_593 : i1
      %sub3A_595 = arith.constant 1 : i32
      %sub3A_596 = arith.subi %div3A_575, %sub3A_595 : i32
      %select_n3A_597 = arith.select %and3A_594, %sub3A_596, %div3A_575 : i32
      %mul3A_598 = arith.constant 128 : i32
      %mul3A_599 = arith.muli %select_n3A_597, %mul3A_598 : i32
      %mul3A_600 = arith.constant 16 : i32
      %mul3A_601 = arith.muli %select_n3A_561, %mul3A_600 : i32
      %add3A_602 = arith.addi %mul3A_599, %mul3A_601 : i32
      %add3A_603 = vector.broadcast %add3A_602 : i32 to vector<16xi32>
      %add3A_604 = arith.addi %add3A_603, %iota3A : vector<16xi32>
      %mul3A_605 = arith.constant 256 : i32
      %mul3A_606 = vector.broadcast %mul3A_605 : i32 to vector<16xi32>
      %mul3A_607 = arith.muli %gather3A, %mul3A_606 : vector<16xi32>
      %add3A_608 = arith.addi %mul3A_607, %add3A_604 : vector<16xi32>
      tpu.vector_store_idx %arg5[%add3A_608], %broadcast_in_dim3A_6 {add = true} : memref<6144xf32, #tpu.memory_space<vmem>>[vector<16xi32>], vector<16xf32>,
    }
    %scan3A_12 = arith.constant 256 : i32
    %mul3A_13 = arith.constant 256 : i32
    %mul3A_14 = arith.muli %add3A, %mul3A_13 : i32
    %dma_start3A = arith.constant 0 : i32
    %dma_start3A_15 = arith.constant 0 : i32
    %dma_start3A_16 = tpu.memref_slice %arg5[%dma_start3A_15] : memref<6144xf32, #tpu.memory_space<vmem>> -> memref<256xf32, #tpu.memory_space<vmem>>
    %dma_start3A_17 = tpu.memref_slice %arg3[%dma_start3A, %mul3A_14] : memref<24x8192xf32, #tpu.memory_space<hbm>> -> memref<1x256xf32, #tpu.memory_space<hbm>>
    %dma_start3A_18 = tpu.memref_squeeze %dma_start3A_17 : memref<1x256xf32, #tpu.memory_space<hbm>> -> memref<256xf32, #tpu.memory_space<hbm>>
    %dma_start3A_19 = tpu.memref_slice %arg3[%dma_start3A, %mul3A_14] : memref<24x8192xf32, #tpu.memory_space<hbm>> -> memref<1x256xf32, #tpu.memory_space<hbm>>
    %dma_start3A_20 = tpu.memref_squeeze %dma_start3A_19 : memref<1x256xf32, #tpu.memory_space<hbm>> -> memref<256xf32, #tpu.memory_space<hbm>>
    %dma_start3A_21 = arith.constant 0 : i32
    %dma_start3A_22 = tpu.memref_slice %arg5[%dma_start3A_21] : memref<6144xf32, #tpu.memory_space<vmem>> -> memref<256xf32, #tpu.memory_space<vmem>>
    tpu.enqueue_dma source(%dma_start3A_22 : memref<256xf32, #tpu.memory_space<vmem>>) target(%dma_start3A_20 : memref<256xf32, #tpu.memory_space<hbm>>) target_semaphore(%arg6 : memref<!tpu.dma_semaphore, #tpu.memory_space<semaphore_mem>>)
    %mul3A_23 = arith.constant 256 : i32
    %mul3A_24 = arith.muli %add3A, %mul3A_23 : i32
    %dma_start3A_25 = arith.constant 1 : i32
    %dma_start3A_26 = arith.constant 256 : i32
    %dma_start3A_27 = tpu.memref_slice %arg5[%dma_start3A_26] : memref<6144xf32, #tpu.memory_space<vmem>> -> memref<256xf32, #tpu.memory_space<vmem>>
    %dma_start3A_28 = tpu.memref_slice %arg3[%dma_start3A_25, %mul3A_24] : memref<24x8192xf32, #tpu.memory_space<hbm>> -> memref<1x256xf32, #tpu.memory_space<hbm>>
    %dma_start3A_29 = tpu.memref_squeeze %dma_start3A_28 : memref<1x256xf32, #tpu.memory_space<hbm>> -> memref<256xf32, #tpu.memory_space<hbm>>
    %dma_start3A_30 = tpu.memref_slice %arg3[%dma_start3A_25, %mul3A_24] : memref<24x8192xf32, #tpu.memory_space<hbm>> -> memref<1x256xf32, #tpu.memory_space<hbm>>
    %dma_start3A_31 = tpu.memref_squeeze %dma_start3A_30 : memref<1x256xf32, #tpu.memory_space<hbm>> -> memref<256xf32, #tpu.memory_space<hbm>>
    %dma_start3A_32 = arith.constant 256 : i32
    %dma_start3A_33 = tpu.memref_slice %arg5[%dma_start3A_32] : memref<6144xf32, #tpu.memory_space<vmem>> -> memref<256xf32, #tpu.memory_space<vmem>>
    tpu.enqueue_dma source(%dma_start3A_33 : memref<256xf32, #tpu.memory_space<vmem>>) target(%dma_start3A_31 : memref<256xf32, #tpu.memory_space<hbm>>) target_semaphore(%arg6 : memref<!tpu.dma_semaphore, #tpu.memory_space<semaphore_mem>>)
    %mul3A_34 = arith.constant 256 : i32
    %mul3A_35 = arith.muli %add3A, %mul3A_34 : i32
    %dma_start3A_36 = arith.constant 2 : i32
    %dma_start3A_37 = arith.constant 512 : i32
    %dma_start3A_38 = tpu.memref_slice %arg5[%dma_start3A_37] : memref<6144xf32, #tpu.memory_space<vmem>> -> memref<256xf32, #tpu.memory_space<vmem>>
    %dma_start3A_39 = tpu.memref_slice %arg3[%dma_start3A_36, %mul3A_35] : memref<24x8192xf32, #tpu.memory_space<hbm>> -> memref<1x256xf32, #tpu.memory_space<hbm>>
    %dma_start3A_40 = tpu.memref_squeeze %dma_start3A_39 : memref<1x256xf32, #tpu.memory_space<hbm>> -> memref<256xf32, #tpu.memory_space<hbm>>
    %dma_start3A_41 = tpu.memref_slice %arg3[%dma_start3A_36, %mul3A_35] : memref<24x8192xf32, #tpu.memory_space<hbm>> -> memref<1x256xf32, #tpu.memory_space<hbm>>
    %dma_start3A_42 = tpu.memref_squeeze %dma_start3A_41 : memref<1x256xf32, #tpu.memory_space<hbm>> -> memref<256xf32, #tpu.memory_space<hbm>>
    %dma_start3A_43 = arith.constant 512 : i32
    %dma_start3A_44 = tpu.memref_slice %arg5[%dma_start3A_43] : memref<6144xf32, #tpu.memory_space<vmem>> -> memref<256xf32, #tpu.memory_space<vmem>>
    tpu.enqueue_dma source(%dma_start3A_44 : memref<256xf32, #tpu.memory_space<vmem>>) target(%dma_start3A_42 : memref<256xf32, #tpu.memory_space<hbm>>) target_semaphore(%arg6 : memref<!tpu.dma_semaphore, #tpu.memory_space<semaphore_mem>>)
    %mul3A_45 = arith.constant 256 : i32
    %mul3A_46 = arith.muli %add3A, %mul3A_45 : i32
    %dma_start3A_47 = arith.constant 3 : i32
    %dma_start3A_48 = arith.constant 768 : i32
    %dma_start3A_49 = tpu.memref_slice %arg5[%dma_start3A_48] : memref<6144xf32, #tpu.memory_space<vmem>> -> memref<256xf32, #tpu.memory_space<vmem>>
    %dma_start3A_50 = tpu.memref_slice %arg3[%dma_start3A_47, %mul3A_46] : memref<24x8192xf32, #tpu.memory_space<hbm>> -> memref<1x256xf32, #tpu.memory_space<hbm>>
    %dma_start3A_51 = tpu.memref_squeeze %dma_start3A_50 : memref<1x256xf32, #tpu.memory_space<hbm>> -> memref<256xf32, #tpu.memory_space<hbm>>
    %dma_start3A_52 = tpu.memref_slice %arg3[%dma_start3A_47, %mul3A_46] : memref<24x8192xf32, #tpu.memory_space<hbm>> -> memref<1x256xf32, #tpu.memory_space<hbm>>
    %dma_start3A_53 = tpu.memref_squeeze %dma_start3A_52 : memref<1x256xf32, #tpu.memory_space<hbm>> -> memref<256xf32, #tpu.memory_space<hbm>>
    %dma_start3A_54 = arith.constant 768 : i32
    %dma_start3A_55 = tpu.memref_slice %arg5[%dma_start3A_54] : memref<6144xf32, #tpu.memory_space<vmem>> -> memref<256xf32, #tpu.memory_space<vmem>>
    tpu.enqueue_dma source(%dma_start3A_55 : memref<256xf32, #tpu.memory_space<vmem>>) target(%dma_start3A_53 : memref<256xf32, #tpu.memory_space<hbm>>) target_semaphore(%arg6 : memref<!tpu.dma_semaphore, #tpu.memory_space<semaphore_mem>>)
    %mul3A_56 = arith.constant 256 : i32
    %mul3A_57 = arith.muli %add3A, %mul3A_56 : i32
    %dma_start3A_58 = arith.constant 4 : i32
    %dma_start3A_59 = arith.constant 1024 : i32
    %dma_start3A_60 = tpu.memref_slice %arg5[%dma_start3A_59] : memref<6144xf32, #tpu.memory_space<vmem>> -> memref<256xf32, #tpu.memory_space<vmem>>
    %dma_start3A_61 = tpu.memref_slice %arg3[%dma_start3A_58, %mul3A_57] : memref<24x8192xf32, #tpu.memory_space<hbm>> -> memref<1x256xf32, #tpu.memory_space<hbm>>
    %dma_start3A_62 = tpu.memref_squeeze %dma_start3A_61 : memref<1x256xf32, #tpu.memory_space<hbm>> -> memref<256xf32, #tpu.memory_space<hbm>>
    %dma_start3A_63 = tpu.memref_slice %arg3[%dma_start3A_58, %mul3A_57] : memref<24x8192xf32, #tpu.memory_space<hbm>> -> memref<1x256xf32, #tpu.memory_space<hbm>>
    %dma_start3A_64 = tpu.memref_squeeze %dma_start3A_63 : memref<1x256xf32, #tpu.memory_space<hbm>> -> memref<256xf32, #tpu.memory_space<hbm>>
    %dma_start3A_65 = arith.constant 1024 : i32
    %dma_start3A_66 = tpu.memref_slice %arg5[%dma_start3A_65] : memref<6144xf32, #tpu.memory_space<vmem>> -> memref<256xf32, #tpu.memory_space<vmem>>
    tpu.enqueue_dma source(%dma_start3A_66 : memref<256xf32, #tpu.memory_space<vmem>>) target(%dma_start3A_64 : memref<256xf32, #tpu.memory_space<hbm>>) target_semaphore(%arg6 : memref<!tpu.dma_semaphore, #tpu.memory_space<semaphore_mem>>)
    %mul3A_67 = arith.constant 256 : i32
    %mul3A_68 = arith.muli %add3A, %mul3A_67 : i32
    %dma_start3A_69 = arith.constant 5 : i32
    %dma_start3A_70 = arith.constant 1280 : i32
    %dma_start3A_71 = tpu.memref_slice %arg5[%dma_start3A_70] : memref<6144xf32, #tpu.memory_space<vmem>> -> memref<256xf32, #tpu.memory_space<vmem>>
    %dma_start3A_72 = tpu.memref_slice %arg3[%dma_start3A_69, %mul3A_68] : memref<24x8192xf32, #tpu.memory_space<hbm>> -> memref<1x256xf32, #tpu.memory_space<hbm>>
    %dma_start3A_73 = tpu.memref_squeeze %dma_start3A_72 : memref<1x256xf32, #tpu.memory_space<hbm>> -> memref<256xf32, #tpu.memory_space<hbm>>
    %dma_start3A_74 = tpu.memref_slice %arg3[%dma_start3A_69, %mul3A_68] : memref<24x8192xf32, #tpu.memory_space<hbm>> -> memref<1x256xf32, #tpu.memory_space<hbm>>
    %dma_start3A_75 = tpu.memref_squeeze %dma_start3A_74 : memref<1x256xf32, #tpu.memory_space<hbm>> -> memref<256xf32, #tpu.memory_space<hbm>>
    %dma_start3A_76 = arith.constant 1280 : i32
    %dma_start3A_77 = tpu.memref_slice %arg5[%dma_start3A_76] : memref<6144xf32, #tpu.memory_space<vmem>> -> memref<256xf32, #tpu.memory_space<vmem>>
    tpu.enqueue_dma source(%dma_start3A_77 : memref<256xf32, #tpu.memory_space<vmem>>) target(%dma_start3A_75 : memref<256xf32, #tpu.memory_space<hbm>>) target_semaphore(%arg6 : memref<!tpu.dma_semaphore, #tpu.memory_space<semaphore_mem>>)
    %mul3A_78 = arith.constant 256 : i32
    %mul3A_79 = arith.muli %add3A, %mul3A_78 : i32
    %dma_start3A_80 = arith.constant 6 : i32
    %dma_start3A_81 = arith.constant 1536 : i32
    %dma_start3A_82 = tpu.memref_slice %arg5[%dma_start3A_81] : memref<6144xf32, #tpu.memory_space<vmem>> -> memref<256xf32, #tpu.memory_space<vmem>>
    %dma_start3A_83 = tpu.memref_slice %arg3[%dma_start3A_80, %mul3A_79] : memref<24x8192xf32, #tpu.memory_space<hbm>> -> memref<1x256xf32, #tpu.memory_space<hbm>>
    %dma_start3A_84 = tpu.memref_squeeze %dma_start3A_83 : memref<1x256xf32, #tpu.memory_space<hbm>> -> memref<256xf32, #tpu.memory_space<hbm>>
    %dma_start3A_85 = tpu.memref_slice %arg3[%dma_start3A_80, %mul3A_79] : memref<24x8192xf32, #tpu.memory_space<hbm>> -> memref<1x256xf32, #tpu.memory_space<hbm>>
    %dma_start3A_86 = tpu.memref_squeeze %dma_start3A_85 : memref<1x256xf32, #tpu.memory_space<hbm>> -> memref<256xf32, #tpu.memory_space<hbm>>
    %dma_start3A_87 = arith.constant 1536 : i32
    %dma_start3A_88 = tpu.memref_slice %arg5[%dma_start3A_87] : memref<6144xf32, #tpu.memory_space<vmem>> -> memref<256xf32, #tpu.memory_space<vmem>>
    tpu.enqueue_dma source(%dma_start3A_88 : memref<256xf32, #tpu.memory_space<vmem>>) target(%dma_start3A_86 : memref<256xf32, #tpu.memory_space<hbm>>) target_semaphore(%arg6 : memref<!tpu.dma_semaphore, #tpu.memory_space<semaphore_mem>>)
    %mul3A_89 = arith.constant 256 : i32
    %mul3A_90 = arith.muli %add3A, %mul3A_89 : i32
    %dma_start3A_91 = arith.constant 7 : i32
    %dma_start3A_92 = arith.constant 1792 : i32
    %dma_start3A_93 = tpu.memref_slice %arg5[%dma_start3A_92] : memref<6144xf32, #tpu.memory_space<vmem>> -> memref<256xf32, #tpu.memory_space<vmem>>
    %dma_start3A_94 = tpu.memref_slice %arg3[%dma_start3A_91, %mul3A_90] : memref<24x8192xf32, #tpu.memory_space<hbm>> -> memref<1x256xf32, #tpu.memory_space<hbm>>
    %dma_start3A_95 = tpu.memref_squeeze %dma_start3A_94 : memref<1x256xf32, #tpu.memory_space<hbm>> -> memref<256xf32, #tpu.memory_space<hbm>>
    %dma_start3A_96 = tpu.memref_slice %arg3[%dma_start3A_91, %mul3A_90] : memref<24x8192xf32, #tpu.memory_space<hbm>> -> memref<1x256xf32, #tpu.memory_space<hbm>>
    %dma_start3A_97 = tpu.memref_squeeze %dma_start3A_96 : memref<1x256xf32, #tpu.memory_space<hbm>> -> memref<256xf32, #tpu.memory_space<hbm>>
    %dma_start3A_98 = arith.constant 1792 : i32
    %dma_start3A_99 = tpu.memref_slice %arg5[%dma_start3A_98] : memref<6144xf32, #tpu.memory_space<vmem>> -> memref<256xf32, #tpu.memory_space<vmem>>
    tpu.enqueue_dma source(%dma_start3A_99 : memref<256xf32, #tpu.memory_space<vmem>>) target(%dma_start3A_97 : memref<256xf32, #tpu.memory_space<hbm>>) target_semaphore(%arg6 : memref<!tpu.dma_semaphore, #tpu.memory_space<semaphore_mem>>)
    %mul3A_100 = arith.constant 256 : i32
    %mul3A_101 = arith.muli %add3A, %mul3A_100 : i32
    %dma_start3A_102 = arith.constant 8 : i32
    %dma_start3A_103 = arith.constant 2048 : i32
    %dma_start3A_104 = tpu.memref_slice %arg5[%dma_start3A_103] : memref<6144xf32, #tpu.memory_space<vmem>> -> memref<256xf32, #tpu.memory_space<vmem>>
    %dma_start3A_105 = tpu.memref_slice %arg3[%dma_start3A_102, %mul3A_101] : memref<24x8192xf32, #tpu.memory_space<hbm>> -> memref<1x256xf32, #tpu.memory_space<hbm>>
    %dma_start3A_106 = tpu.memref_squeeze %dma_start3A_105 : memref<1x256xf32, #tpu.memory_space<hbm>> -> memref<256xf32, #tpu.memory_space<hbm>>
    %dma_start3A_107 = tpu.memref_slice %arg3[%dma_start3A_102, %mul3A_101] : memref<24x8192xf32, #tpu.memory_space<hbm>> -> memref<1x256xf32, #tpu.memory_space<hbm>>
    %dma_start3A_108 = tpu.memref_squeeze %dma_start3A_107 : memref<1x256xf32, #tpu.memory_space<hbm>> -> memref<256xf32, #tpu.memory_space<hbm>>
    %dma_start3A_109 = arith.constant 2048 : i32
    %dma_start3A_110 = tpu.memref_slice %arg5[%dma_start3A_109] : memref<6144xf32, #tpu.memory_space<vmem>> -> memref<256xf32, #tpu.memory_space<vmem>>
    tpu.enqueue_dma source(%dma_start3A_110 : memref<256xf32, #tpu.memory_space<vmem>>) target(%dma_start3A_108 : memref<256xf32, #tpu.memory_space<hbm>>) target_semaphore(%arg6 : memref<!tpu.dma_semaphore, #tpu.memory_space<semaphore_mem>>)
    %mul3A_111 = arith.constant 256 : i32
    %mul3A_112 = arith.muli %add3A, %mul3A_111 : i32
    %dma_start3A_113 = arith.constant 9 : i32
    %dma_start3A_114 = arith.constant 2304 : i32
    %dma_start3A_115 = tpu.memref_slice %arg5[%dma_start3A_114] : memref<6144xf32, #tpu.memory_space<vmem>> -> memref<256xf32, #tpu.memory_space<vmem>>
    %dma_start3A_116 = tpu.memref_slice %arg3[%dma_start3A_113, %mul3A_112] : memref<24x8192xf32, #tpu.memory_space<hbm>> -> memref<1x256xf32, #tpu.memory_space<hbm>>
    %dma_start3A_117 = tpu.memref_squeeze %dma_start3A_116 : memref<1x256xf32, #tpu.memory_space<hbm>> -> memref<256xf32, #tpu.memory_space<hbm>>
    %dma_start3A_118 = tpu.memref_slice %arg3[%dma_start3A_113, %mul3A_112] : memref<24x8192xf32, #tpu.memory_space<hbm>> -> memref<1x256xf32, #tpu.memory_space<hbm>>
    %dma_start3A_119 = tpu.memref_squeeze %dma_start3A_118 : memref<1x256xf32, #tpu.memory_space<hbm>> -> memref<256xf32, #tpu.memory_space<hbm>>
    %dma_start3A_120 = arith.constant 2304 : i32
    %dma_start3A_121 = tpu.memref_slice %arg5[%dma_start3A_120] : memref<6144xf32, #tpu.memory_space<vmem>> -> memref<256xf32, #tpu.memory_space<vmem>>
    tpu.enqueue_dma source(%dma_start3A_121 : memref<256xf32, #tpu.memory_space<vmem>>) target(%dma_start3A_119 : memref<256xf32, #tpu.memory_space<hbm>>) target_semaphore(%arg6 : memref<!tpu.dma_semaphore, #tpu.memory_space<semaphore_mem>>)
    %mul3A_122 = arith.constant 256 : i32
    %mul3A_123 = arith.muli %add3A, %mul3A_122 : i32
    %dma_start3A_124 = arith.constant 10 : i32
    %dma_start3A_125 = arith.constant 2560 : i32
    %dma_start3A_126 = tpu.memref_slice %arg5[%dma_start3A_125] : memref<6144xf32, #tpu.memory_space<vmem>> -> memref<256xf32, #tpu.memory_space<vmem>>
    %dma_start3A_127 = tpu.memref_slice %arg3[%dma_start3A_124, %mul3A_123] : memref<24x8192xf32, #tpu.memory_space<hbm>> -> memref<1x256xf32, #tpu.memory_space<hbm>>
    %dma_start3A_128 = tpu.memref_squeeze %dma_start3A_127 : memref<1x256xf32, #tpu.memory_space<hbm>> -> memref<256xf32, #tpu.memory_space<hbm>>
    %dma_start3A_129 = tpu.memref_slice %arg3[%dma_start3A_124, %mul3A_123] : memref<24x8192xf32, #tpu.memory_space<hbm>> -> memref<1x256xf32, #tpu.memory_space<hbm>>
    %dma_start3A_130 = tpu.memref_squeeze %dma_start3A_129 : memref<1x256xf32, #tpu.memory_space<hbm>> -> memref<256xf32, #tpu.memory_space<hbm>>
    %dma_start3A_131 = arith.constant 2560 : i32
    %dma_start3A_132 = tpu.memref_slice %arg5[%dma_start3A_131] : memref<6144xf32, #tpu.memory_space<vmem>> -> memref<256xf32, #tpu.memory_space<vmem>>
    tpu.enqueue_dma source(%dma_start3A_132 : memref<256xf32, #tpu.memory_space<vmem>>) target(%dma_start3A_130 : memref<256xf32, #tpu.memory_space<hbm>>) target_semaphore(%arg6 : memref<!tpu.dma_semaphore, #tpu.memory_space<semaphore_mem>>)
    %mul3A_133 = arith.constant 256 : i32
    %mul3A_134 = arith.muli %add3A, %mul3A_133 : i32
    %dma_start3A_135 = arith.constant 11 : i32
    %dma_start3A_136 = arith.constant 2816 : i32
    %dma_start3A_137 = tpu.memref_slice %arg5[%dma_start3A_136] : memref<6144xf32, #tpu.memory_space<vmem>> -> memref<256xf32, #tpu.memory_space<vmem>>
    %dma_start3A_138 = tpu.memref_slice %arg3[%dma_start3A_135, %mul3A_134] : memref<24x8192xf32, #tpu.memory_space<hbm>> -> memref<1x256xf32, #tpu.memory_space<hbm>>
    %dma_start3A_139 = tpu.memref_squeeze %dma_start3A_138 : memref<1x256xf32, #tpu.memory_space<hbm>> -> memref<256xf32, #tpu.memory_space<hbm>>
    %dma_start3A_140 = tpu.memref_slice %arg3[%dma_start3A_135, %mul3A_134] : memref<24x8192xf32, #tpu.memory_space<hbm>> -> memref<1x256xf32, #tpu.memory_space<hbm>>
    %dma_start3A_141 = tpu.memref_squeeze %dma_start3A_140 : memref<1x256xf32, #tpu.memory_space<hbm>> -> memref<256xf32, #tpu.memory_space<hbm>>
    %dma_start3A_142 = arith.constant 2816 : i32
    %dma_start3A_143 = tpu.memref_slice %arg5[%dma_start3A_142] : memref<6144xf32, #tpu.memory_space<vmem>> -> memref<256xf32, #tpu.memory_space<vmem>>
    tpu.enqueue_dma source(%dma_start3A_143 : memref<256xf32, #tpu.memory_space<vmem>>) target(%dma_start3A_141 : memref<256xf32, #tpu.memory_space<hbm>>) target_semaphore(%arg6 : memref<!tpu.dma_semaphore, #tpu.memory_space<semaphore_mem>>)
    %mul3A_144 = arith.constant 256 : i32
    %mul3A_145 = arith.muli %add3A, %mul3A_144 : i32
    %dma_start3A_146 = arith.constant 12 : i32
    %dma_start3A_147 = arith.constant 3072 : i32
    %dma_start3A_148 = tpu.memref_slice %arg5[%dma_start3A_147] : memref<6144xf32, #tpu.memory_space<vmem>> -> memref<256xf32, #tpu.memory_space<vmem>>
    %dma_start3A_149 = tpu.memref_slice %arg3[%dma_start3A_146, %mul3A_145] : memref<24x8192xf32, #tpu.memory_space<hbm>> -> memref<1x256xf32, #tpu.memory_space<hbm>>
    %dma_start3A_150 = tpu.memref_squeeze %dma_start3A_149 : memref<1x256xf32, #tpu.memory_space<hbm>> -> memref<256xf32, #tpu.memory_space<hbm>>
    %dma_start3A_151 = tpu.memref_slice %arg3[%dma_start3A_146, %mul3A_145] : memref<24x8192xf32, #tpu.memory_space<hbm>> -> memref<1x256xf32, #tpu.memory_space<hbm>>
    %dma_start3A_152 = tpu.memref_squeeze %dma_start3A_151 : memref<1x256xf32, #tpu.memory_space<hbm>> -> memref<256xf32, #tpu.memory_space<hbm>>
    %dma_start3A_153 = arith.constant 3072 : i32
    %dma_start3A_154 = tpu.memref_slice %arg5[%dma_start3A_153] : memref<6144xf32, #tpu.memory_space<vmem>> -> memref<256xf32, #tpu.memory_space<vmem>>
    tpu.enqueue_dma source(%dma_start3A_154 : memref<256xf32, #tpu.memory_space<vmem>>) target(%dma_start3A_152 : memref<256xf32, #tpu.memory_space<hbm>>) target_semaphore(%arg6 : memref<!tpu.dma_semaphore, #tpu.memory_space<semaphore_mem>>)
    %mul3A_155 = arith.constant 256 : i32
    %mul3A_156 = arith.muli %add3A, %mul3A_155 : i32
    %dma_start3A_157 = arith.constant 13 : i32
    %dma_start3A_158 = arith.constant 3328 : i32
    %dma_start3A_159 = tpu.memref_slice %arg5[%dma_start3A_158] : memref<6144xf32, #tpu.memory_space<vmem>> -> memref<256xf32, #tpu.memory_space<vmem>>
    %dma_start3A_160 = tpu.memref_slice %arg3[%dma_start3A_157, %mul3A_156] : memref<24x8192xf32, #tpu.memory_space<hbm>> -> memref<1x256xf32, #tpu.memory_space<hbm>>
    %dma_start3A_161 = tpu.memref_squeeze %dma_start3A_160 : memref<1x256xf32, #tpu.memory_space<hbm>> -> memref<256xf32, #tpu.memory_space<hbm>>
    %dma_start3A_162 = tpu.memref_slice %arg3[%dma_start3A_157, %mul3A_156] : memref<24x8192xf32, #tpu.memory_space<hbm>> -> memref<1x256xf32, #tpu.memory_space<hbm>>
    %dma_start3A_163 = tpu.memref_squeeze %dma_start3A_162 : memref<1x256xf32, #tpu.memory_space<hbm>> -> memref<256xf32, #tpu.memory_space<hbm>>
    %dma_start3A_164 = arith.constant 3328 : i32
    %dma_start3A_165 = tpu.memref_slice %arg5[%dma_start3A_164] : memref<6144xf32, #tpu.memory_space<vmem>> -> memref<256xf32, #tpu.memory_space<vmem>>
    tpu.enqueue_dma source(%dma_start3A_165 : memref<256xf32, #tpu.memory_space<vmem>>) target(%dma_start3A_163 : memref<256xf32, #tpu.memory_space<hbm>>) target_semaphore(%arg6 : memref<!tpu.dma_semaphore, #tpu.memory_space<semaphore_mem>>)
    %mul3A_166 = arith.constant 256 : i32
    %mul3A_167 = arith.muli %add3A, %mul3A_166 : i32
    %dma_start3A_168 = arith.constant 14 : i32
    %dma_start3A_169 = arith.constant 3584 : i32
    %dma_start3A_170 = tpu.memref_slice %arg5[%dma_start3A_169] : memref<6144xf32, #tpu.memory_space<vmem>> -> memref<256xf32, #tpu.memory_space<vmem>>
    %dma_start3A_171 = tpu.memref_slice %arg3[%dma_start3A_168, %mul3A_167] : memref<24x8192xf32, #tpu.memory_space<hbm>> -> memref<1x256xf32, #tpu.memory_space<hbm>>
    %dma_start3A_172 = tpu.memref_squeeze %dma_start3A_171 : memref<1x256xf32, #tpu.memory_space<hbm>> -> memref<256xf32, #tpu.memory_space<hbm>>
    %dma_start3A_173 = tpu.memref_slice %arg3[%dma_start3A_168, %mul3A_167] : memref<24x8192xf32, #tpu.memory_space<hbm>> -> memref<1x256xf32, #tpu.memory_space<hbm>>
    %dma_start3A_174 = tpu.memref_squeeze %dma_start3A_173 : memref<1x256xf32, #tpu.memory_space<hbm>> -> memref<256xf32, #tpu.memory_space<hbm>>
    %dma_start3A_175 = arith.constant 3584 : i32
    %dma_start3A_176 = tpu.memref_slice %arg5[%dma_start3A_175] : memref<6144xf32, #tpu.memory_space<vmem>> -> memref<256xf32, #tpu.memory_space<vmem>>
    tpu.enqueue_dma source(%dma_start3A_176 : memref<256xf32, #tpu.memory_space<vmem>>) target(%dma_start3A_174 : memref<256xf32, #tpu.memory_space<hbm>>) target_semaphore(%arg6 : memref<!tpu.dma_semaphore, #tpu.memory_space<semaphore_mem>>)
    %mul3A_177 = arith.constant 256 : i32
    %mul3A_178 = arith.muli %add3A, %mul3A_177 : i32
    %dma_start3A_179 = arith.constant 15 : i32
    %dma_start3A_180 = arith.constant 3840 : i32
    %dma_start3A_181 = tpu.memref_slice %arg5[%dma_start3A_180] : memref<6144xf32, #tpu.memory_space<vmem>> -> memref<256xf32, #tpu.memory_space<vmem>>
    %dma_start3A_182 = tpu.memref_slice %arg3[%dma_start3A_179, %mul3A_178] : memref<24x8192xf32, #tpu.memory_space<hbm>> -> memref<1x256xf32, #tpu.memory_space<hbm>>
    %dma_start3A_183 = tpu.memref_squeeze %dma_start3A_182 : memref<1x256xf32, #tpu.memory_space<hbm>> -> memref<256xf32, #tpu.memory_space<hbm>>
    %dma_start3A_184 = tpu.memref_slice %arg3[%dma_start3A_179, %mul3A_178] : memref<24x8192xf32, #tpu.memory_space<hbm>> -> memref<1x256xf32, #tpu.memory_space<hbm>>
    %dma_start3A_185 = tpu.memref_squeeze %dma_start3A_184 : memref<1x256xf32, #tpu.memory_space<hbm>> -> memref<256xf32, #tpu.memory_space<hbm>>
    %dma_start3A_186 = arith.constant 3840 : i32
    %dma_start3A_187 = tpu.memref_slice %arg5[%dma_start3A_186] : memref<6144xf32, #tpu.memory_space<vmem>> -> memref<256xf32, #tpu.memory_space<vmem>>
    tpu.enqueue_dma source(%dma_start3A_187 : memref<256xf32, #tpu.memory_space<vmem>>) target(%dma_start3A_185 : memref<256xf32, #tpu.memory_space<hbm>>) target_semaphore(%arg6 : memref<!tpu.dma_semaphore, #tpu.memory_space<semaphore_mem>>)
    %mul3A_188 = arith.constant 256 : i32
    %mul3A_189 = arith.muli %add3A, %mul3A_188 : i32
    %dma_start3A_190 = arith.constant 16 : i32
    %dma_start3A_191 = arith.constant 4096 : i32
    %dma_start3A_192 = tpu.memref_slice %arg5[%dma_start3A_191] : memref<6144xf32, #tpu.memory_space<vmem>> -> memref<256xf32, #tpu.memory_space<vmem>>
    %dma_start3A_193 = tpu.memref_slice %arg3[%dma_start3A_190, %mul3A_189] : memref<24x8192xf32, #tpu.memory_space<hbm>> -> memref<1x256xf32, #tpu.memory_space<hbm>>
    %dma_start3A_194 = tpu.memref_squeeze %dma_start3A_193 : memref<1x256xf32, #tpu.memory_space<hbm>> -> memref<256xf32, #tpu.memory_space<hbm>>
    %dma_start3A_195 = tpu.memref_slice %arg3[%dma_start3A_190, %mul3A_189] : memref<24x8192xf32, #tpu.memory_space<hbm>> -> memref<1x256xf32, #tpu.memory_space<hbm>>
    %dma_start3A_196 = tpu.memref_squeeze %dma_start3A_195 : memref<1x256xf32, #tpu.memory_space<hbm>> -> memref<256xf32, #tpu.memory_space<hbm>>
    %dma_start3A_197 = arith.constant 4096 : i32
    %dma_start3A_198 = tpu.memref_slice %arg5[%dma_start3A_197] : memref<6144xf32, #tpu.memory_space<vmem>> -> memref<256xf32, #tpu.memory_space<vmem>>
    tpu.enqueue_dma source(%dma_start3A_198 : memref<256xf32, #tpu.memory_space<vmem>>) target(%dma_start3A_196 : memref<256xf32, #tpu.memory_space<hbm>>) target_semaphore(%arg6 : memref<!tpu.dma_semaphore, #tpu.memory_space<semaphore_mem>>)
    %mul3A_199 = arith.constant 256 : i32
    %mul3A_200 = arith.muli %add3A, %mul3A_199 : i32
    %dma_start3A_201 = arith.constant 17 : i32
    %dma_start3A_202 = arith.constant 4352 : i32
    %dma_start3A_203 = tpu.memref_slice %arg5[%dma_start3A_202] : memref<6144xf32, #tpu.memory_space<vmem>> -> memref<256xf32, #tpu.memory_space<vmem>>
    %dma_start3A_204 = tpu.memref_slice %arg3[%dma_start3A_201, %mul3A_200] : memref<24x8192xf32, #tpu.memory_space<hbm>> -> memref<1x256xf32, #tpu.memory_space<hbm>>
    %dma_start3A_205 = tpu.memref_squeeze %dma_start3A_204 : memref<1x256xf32, #tpu.memory_space<hbm>> -> memref<256xf32, #tpu.memory_space<hbm>>
    %dma_start3A_206 = tpu.memref_slice %arg3[%dma_start3A_201, %mul3A_200] : memref<24x8192xf32, #tpu.memory_space<hbm>> -> memref<1x256xf32, #tpu.memory_space<hbm>>
    %dma_start3A_207 = tpu.memref_squeeze %dma_start3A_206 : memref<1x256xf32, #tpu.memory_space<hbm>> -> memref<256xf32, #tpu.memory_space<hbm>>
    %dma_start3A_208 = arith.constant 4352 : i32
    %dma_start3A_209 = tpu.memref_slice %arg5[%dma_start3A_208] : memref<6144xf32, #tpu.memory_space<vmem>> -> memref<256xf32, #tpu.memory_space<vmem>>
    tpu.enqueue_dma source(%dma_start3A_209 : memref<256xf32, #tpu.memory_space<vmem>>) target(%dma_start3A_207 : memref<256xf32, #tpu.memory_space<hbm>>) target_semaphore(%arg6 : memref<!tpu.dma_semaphore, #tpu.memory_space<semaphore_mem>>)
    %mul3A_210 = arith.constant 256 : i32
    %mul3A_211 = arith.muli %add3A, %mul3A_210 : i32
    %dma_start3A_212 = arith.constant 18 : i32
    %dma_start3A_213 = arith.constant 4608 : i32
    %dma_start3A_214 = tpu.memref_slice %arg5[%dma_start3A_213] : memref<6144xf32, #tpu.memory_space<vmem>> -> memref<256xf32, #tpu.memory_space<vmem>>
    %dma_start3A_215 = tpu.memref_slice %arg3[%dma_start3A_212, %mul3A_211] : memref<24x8192xf32, #tpu.memory_space<hbm>> -> memref<1x256xf32, #tpu.memory_space<hbm>>
    %dma_start3A_216 = tpu.memref_squeeze %dma_start3A_215 : memref<1x256xf32, #tpu.memory_space<hbm>> -> memref<256xf32, #tpu.memory_space<hbm>>
    %dma_start3A_217 = tpu.memref_slice %arg3[%dma_start3A_212, %mul3A_211] : memref<24x8192xf32, #tpu.memory_space<hbm>> -> memref<1x256xf32, #tpu.memory_space<hbm>>
    %dma_start3A_218 = tpu.memref_squeeze %dma_start3A_217 : memref<1x256xf32, #tpu.memory_space<hbm>> -> memref<256xf32, #tpu.memory_space<hbm>>
    %dma_start3A_219 = arith.constant 4608 : i32
    %dma_start3A_220 = tpu.memref_slice %arg5[%dma_start3A_219] : memref<6144xf32, #tpu.memory_space<vmem>> -> memref<256xf32, #tpu.memory_space<vmem>>
    tpu.enqueue_dma source(%dma_start3A_220 : memref<256xf32, #tpu.memory_space<vmem>>) target(%dma_start3A_218 : memref<256xf32, #tpu.memory_space<hbm>>) target_semaphore(%arg6 : memref<!tpu.dma_semaphore, #tpu.memory_space<semaphore_mem>>)
    %mul3A_221 = arith.constant 256 : i32
    %mul3A_222 = arith.muli %add3A, %mul3A_221 : i32
    %dma_start3A_223 = arith.constant 19 : i32
    %dma_start3A_224 = arith.constant 4864 : i32
    %dma_start3A_225 = tpu.memref_slice %arg5[%dma_start3A_224] : memref<6144xf32, #tpu.memory_space<vmem>> -> memref<256xf32, #tpu.memory_space<vmem>>
    %dma_start3A_226 = tpu.memref_slice %arg3[%dma_start3A_223, %mul3A_222] : memref<24x8192xf32, #tpu.memory_space<hbm>> -> memref<1x256xf32, #tpu.memory_space<hbm>>
    %dma_start3A_227 = tpu.memref_squeeze %dma_start3A_226 : memref<1x256xf32, #tpu.memory_space<hbm>> -> memref<256xf32, #tpu.memory_space<hbm>>
    %dma_start3A_228 = tpu.memref_slice %arg3[%dma_start3A_223, %mul3A_222] : memref<24x8192xf32, #tpu.memory_space<hbm>> -> memref<1x256xf32, #tpu.memory_space<hbm>>
    %dma_start3A_229 = tpu.memref_squeeze %dma_start3A_228 : memref<1x256xf32, #tpu.memory_space<hbm>> -> memref<256xf32, #tpu.memory_space<hbm>>
    %dma_start3A_230 = arith.constant 4864 : i32
    %dma_start3A_231 = tpu.memref_slice %arg5[%dma_start3A_230] : memref<6144xf32, #tpu.memory_space<vmem>> -> memref<256xf32, #tpu.memory_space<vmem>>
    tpu.enqueue_dma source(%dma_start3A_231 : memref<256xf32, #tpu.memory_space<vmem>>) target(%dma_start3A_229 : memref<256xf32, #tpu.memory_space<hbm>>) target_semaphore(%arg6 : memref<!tpu.dma_semaphore, #tpu.memory_space<semaphore_mem>>)
    %mul3A_232 = arith.constant 256 : i32
    %mul3A_233 = arith.muli %add3A, %mul3A_232 : i32
    %dma_start3A_234 = arith.constant 20 : i32
    %dma_start3A_235 = arith.constant 5120 : i32
    %dma_start3A_236 = tpu.memref_slice %arg5[%dma_start3A_235] : memref<6144xf32, #tpu.memory_space<vmem>> -> memref<256xf32, #tpu.memory_space<vmem>>
    %dma_start3A_237 = tpu.memref_slice %arg3[%dma_start3A_234, %mul3A_233] : memref<24x8192xf32, #tpu.memory_space<hbm>> -> memref<1x256xf32, #tpu.memory_space<hbm>>
    %dma_start3A_238 = tpu.memref_squeeze %dma_start3A_237 : memref<1x256xf32, #tpu.memory_space<hbm>> -> memref<256xf32, #tpu.memory_space<hbm>>
    %dma_start3A_239 = tpu.memref_slice %arg3[%dma_start3A_234, %mul3A_233] : memref<24x8192xf32, #tpu.memory_space<hbm>> -> memref<1x256xf32, #tpu.memory_space<hbm>>
    %dma_start3A_240 = tpu.memref_squeeze %dma_start3A_239 : memref<1x256xf32, #tpu.memory_space<hbm>> -> memref<256xf32, #tpu.memory_space<hbm>>
    %dma_start3A_241 = arith.constant 5120 : i32
    %dma_start3A_242 = tpu.memref_slice %arg5[%dma_start3A_241] : memref<6144xf32, #tpu.memory_space<vmem>> -> memref<256xf32, #tpu.memory_space<vmem>>
    tpu.enqueue_dma source(%dma_start3A_242 : memref<256xf32, #tpu.memory_space<vmem>>) target(%dma_start3A_240 : memref<256xf32, #tpu.memory_space<hbm>>) target_semaphore(%arg6 : memref<!tpu.dma_semaphore, #tpu.memory_space<semaphore_mem>>)
    %mul3A_243 = arith.constant 256 : i32
    %mul3A_244 = arith.muli %add3A, %mul3A_243 : i32
    %dma_start3A_245 = arith.constant 21 : i32
    %dma_start3A_246 = arith.constant 5376 : i32
    %dma_start3A_247 = tpu.memref_slice %arg5[%dma_start3A_246] : memref<6144xf32, #tpu.memory_space<vmem>> -> memref<256xf32, #tpu.memory_space<vmem>>
    %dma_start3A_248 = tpu.memref_slice %arg3[%dma_start3A_245, %mul3A_244] : memref<24x8192xf32, #tpu.memory_space<hbm>> -> memref<1x256xf32, #tpu.memory_space<hbm>>
    %dma_start3A_249 = tpu.memref_squeeze %dma_start3A_248 : memref<1x256xf32, #tpu.memory_space<hbm>> -> memref<256xf32, #tpu.memory_space<hbm>>
    %dma_start3A_250 = tpu.memref_slice %arg3[%dma_start3A_245, %mul3A_244] : memref<24x8192xf32, #tpu.memory_space<hbm>> -> memref<1x256xf32, #tpu.memory_space<hbm>>
    %dma_start3A_251 = tpu.memref_squeeze %dma_start3A_250 : memref<1x256xf32, #tpu.memory_space<hbm>> -> memref<256xf32, #tpu.memory_space<hbm>>
    %dma_start3A_252 = arith.constant 5376 : i32
    %dma_start3A_253 = tpu.memref_slice %arg5[%dma_start3A_252] : memref<6144xf32, #tpu.memory_space<vmem>> -> memref<256xf32, #tpu.memory_space<vmem>>
    tpu.enqueue_dma source(%dma_start3A_253 : memref<256xf32, #tpu.memory_space<vmem>>) target(%dma_start3A_251 : memref<256xf32, #tpu.memory_space<hbm>>) target_semaphore(%arg6 : memref<!tpu.dma_semaphore, #tpu.memory_space<semaphore_mem>>)
    %mul3A_254 = arith.constant 256 : i32
    %mul3A_255 = arith.muli %add3A, %mul3A_254 : i32
    %dma_start3A_256 = arith.constant 22 : i32
    %dma_start3A_257 = arith.constant 5632 : i32
    %dma_start3A_258 = tpu.memref_slice %arg5[%dma_start3A_257] : memref<6144xf32, #tpu.memory_space<vmem>> -> memref<256xf32, #tpu.memory_space<vmem>>
    %dma_start3A_259 = tpu.memref_slice %arg3[%dma_start3A_256, %mul3A_255] : memref<24x8192xf32, #tpu.memory_space<hbm>> -> memref<1x256xf32, #tpu.memory_space<hbm>>
    %dma_start3A_260 = tpu.memref_squeeze %dma_start3A_259 : memref<1x256xf32, #tpu.memory_space<hbm>> -> memref<256xf32, #tpu.memory_space<hbm>>
    %dma_start3A_261 = tpu.memref_slice %arg3[%dma_start3A_256, %mul3A_255] : memref<24x8192xf32, #tpu.memory_space<hbm>> -> memref<1x256xf32, #tpu.memory_space<hbm>>
    %dma_start3A_262 = tpu.memref_squeeze %dma_start3A_261 : memref<1x256xf32, #tpu.memory_space<hbm>> -> memref<256xf32, #tpu.memory_space<hbm>>
    %dma_start3A_263 = arith.constant 5632 : i32
    %dma_start3A_264 = tpu.memref_slice %arg5[%dma_start3A_263] : memref<6144xf32, #tpu.memory_space<vmem>> -> memref<256xf32, #tpu.memory_space<vmem>>
    tpu.enqueue_dma source(%dma_start3A_264 : memref<256xf32, #tpu.memory_space<vmem>>) target(%dma_start3A_262 : memref<256xf32, #tpu.memory_space<hbm>>) target_semaphore(%arg6 : memref<!tpu.dma_semaphore, #tpu.memory_space<semaphore_mem>>)
    %mul3A_265 = arith.constant 256 : i32
    %mul3A_266 = arith.muli %add3A, %mul3A_265 : i32
    %dma_start3A_267 = arith.constant 23 : i32
    %dma_start3A_268 = arith.constant 5888 : i32
    %dma_start3A_269 = tpu.memref_slice %arg5[%dma_start3A_268] : memref<6144xf32, #tpu.memory_space<vmem>> -> memref<256xf32, #tpu.memory_space<vmem>>
    %dma_start3A_270 = tpu.memref_slice %arg3[%dma_start3A_267, %mul3A_266] : memref<24x8192xf32, #tpu.memory_space<hbm>> -> memref<1x256xf32, #tpu.memory_space<hbm>>
    %dma_start3A_271 = tpu.memref_squeeze %dma_start3A_270 : memref<1x256xf32, #tpu.memory_space<hbm>> -> memref<256xf32, #tpu.memory_space<hbm>>
    %dma_start3A_272 = tpu.memref_slice %arg3[%dma_start3A_267, %mul3A_266] : memref<24x8192xf32, #tpu.memory_space<hbm>> -> memref<1x256xf32, #tpu.memory_space<hbm>>
    %dma_start3A_273 = tpu.memref_squeeze %dma_start3A_272 : memref<1x256xf32, #tpu.memory_space<hbm>> -> memref<256xf32, #tpu.memory_space<hbm>>
    %dma_start3A_274 = arith.constant 5888 : i32
    %dma_start3A_275 = tpu.memref_slice %arg5[%dma_start3A_274] : memref<6144xf32, #tpu.memory_space<vmem>> -> memref<256xf32, #tpu.memory_space<vmem>>
    tpu.enqueue_dma source(%dma_start3A_275 : memref<256xf32, #tpu.memory_space<vmem>>) target(%dma_start3A_273 : memref<256xf32, #tpu.memory_space<hbm>>) target_semaphore(%arg6 : memref<!tpu.dma_semaphore, #tpu.memory_space<semaphore_mem>>)
    %dma_wait3A = arith.constant 0 : i32
    %dma_wait3A_276 = arith.constant 0 : i32
    %dma_wait3A_277 = tpu.memref_slice %arg5[%dma_wait3A_276] : memref<6144xf32, #tpu.memory_space<vmem>> -> memref<256xf32, #tpu.memory_space<vmem>>
    %dma_wait3A_278 = tpu.memref_slice %arg3[%dma_wait3A, %mul3A_14] : memref<24x8192xf32, #tpu.memory_space<hbm>> -> memref<1x256xf32, #tpu.memory_space<hbm>>
    %dma_wait3A_279 = tpu.memref_squeeze %dma_wait3A_278 : memref<1x256xf32, #tpu.memory_space<hbm>> -> memref<256xf32, #tpu.memory_space<hbm>>
    %dma_wait3A_280 = tpu.memref_slice %arg3[%dma_wait3A, %mul3A_14] : memref<24x8192xf32, #tpu.memory_space<hbm>> -> memref<1x256xf32, #tpu.memory_space<hbm>>
    %dma_wait3A_281 = tpu.memref_squeeze %dma_wait3A_280 : memref<1x256xf32, #tpu.memory_space<hbm>> -> memref<256xf32, #tpu.memory_space<hbm>>
    %dma_wait3A_282 = arith.constant 0 : i32
    %dma_wait3A_283 = tpu.memref_slice %arg5[%dma_wait3A_282] : memref<6144xf32, #tpu.memory_space<vmem>> -> memref<256xf32, #tpu.memory_space<vmem>>
    tpu.wait_dma2 semaphore(%arg6 : memref<!tpu.dma_semaphore, #tpu.memory_space<semaphore_mem>>) src(%dma_wait3A_283 : memref<256xf32, #tpu.memory_space<vmem>>) dst(%dma_wait3A_281 : memref<256xf32, #tpu.memory_space<hbm>>)
    %dma_wait3A_284 = arith.constant 1 : i32
    %dma_wait3A_285 = arith.constant 256 : i32
    %dma_wait3A_286 = tpu.memref_slice %arg5[%dma_wait3A_285] : memref<6144xf32, #tpu.memory_space<vmem>> -> memref<256xf32, #tpu.memory_space<vmem>>
    %dma_wait3A_287 = tpu.memref_slice %arg3[%dma_wait3A_284, %mul3A_24] : memref<24x8192xf32, #tpu.memory_space<hbm>> -> memref<1x256xf32, #tpu.memory_space<hbm>>
    %dma_wait3A_288 = tpu.memref_squeeze %dma_wait3A_287 : memref<1x256xf32, #tpu.memory_space<hbm>> -> memref<256xf32, #tpu.memory_space<hbm>>
    %dma_wait3A_289 = tpu.memref_slice %arg3[%dma_wait3A_284, %mul3A_24] : memref<24x8192xf32, #tpu.memory_space<hbm>> -> memref<1x256xf32, #tpu.memory_space<hbm>>
    %dma_wait3A_290 = tpu.memref_squeeze %dma_wait3A_289 : memref<1x256xf32, #tpu.memory_space<hbm>> -> memref<256xf32, #tpu.memory_space<hbm>>
    %dma_wait3A_291 = arith.constant 256 : i32
    %dma_wait3A_292 = tpu.memref_slice %arg5[%dma_wait3A_291] : memref<6144xf32, #tpu.memory_space<vmem>> -> memref<256xf32, #tpu.memory_space<vmem>>
    tpu.wait_dma2 semaphore(%arg6 : memref<!tpu.dma_semaphore, #tpu.memory_space<semaphore_mem>>) src(%dma_wait3A_292 : memref<256xf32, #tpu.memory_space<vmem>>) dst(%dma_wait3A_290 : memref<256xf32, #tpu.memory_space<hbm>>)
    %dma_wait3A_293 = arith.constant 2 : i32
    %dma_wait3A_294 = arith.constant 512 : i32
    %dma_wait3A_295 = tpu.memref_slice %arg5[%dma_wait3A_294] : memref<6144xf32, #tpu.memory_space<vmem>> -> memref<256xf32, #tpu.memory_space<vmem>>
    %dma_wait3A_296 = tpu.memref_slice %arg3[%dma_wait3A_293, %mul3A_35] : memref<24x8192xf32, #tpu.memory_space<hbm>> -> memref<1x256xf32, #tpu.memory_space<hbm>>
    %dma_wait3A_297 = tpu.memref_squeeze %dma_wait3A_296 : memref<1x256xf32, #tpu.memory_space<hbm>> -> memref<256xf32, #tpu.memory_space<hbm>>
    %dma_wait3A_298 = tpu.memref_slice %arg3[%dma_wait3A_293, %mul3A_35] : memref<24x8192xf32, #tpu.memory_space<hbm>> -> memref<1x256xf32, #tpu.memory_space<hbm>>
    %dma_wait3A_299 = tpu.memref_squeeze %dma_wait3A_298 : memref<1x256xf32, #tpu.memory_space<hbm>> -> memref<256xf32, #tpu.memory_space<hbm>>
    %dma_wait3A_300 = arith.constant 512 : i32
    %dma_wait3A_301 = tpu.memref_slice %arg5[%dma_wait3A_300] : memref<6144xf32, #tpu.memory_space<vmem>> -> memref<256xf32, #tpu.memory_space<vmem>>
    tpu.wait_dma2 semaphore(%arg6 : memref<!tpu.dma_semaphore, #tpu.memory_space<semaphore_mem>>) src(%dma_wait3A_301 : memref<256xf32, #tpu.memory_space<vmem>>) dst(%dma_wait3A_299 : memref<256xf32, #tpu.memory_space<hbm>>)
    %dma_wait3A_302 = arith.constant 3 : i32
    %dma_wait3A_303 = arith.constant 768 : i32
    %dma_wait3A_304 = tpu.memref_slice %arg5[%dma_wait3A_303] : memref<6144xf32, #tpu.memory_space<vmem>> -> memref<256xf32, #tpu.memory_space<vmem>>
    %dma_wait3A_305 = tpu.memref_slice %arg3[%dma_wait3A_302, %mul3A_46] : memref<24x8192xf32, #tpu.memory_space<hbm>> -> memref<1x256xf32, #tpu.memory_space<hbm>>
    %dma_wait3A_306 = tpu.memref_squeeze %dma_wait3A_305 : memref<1x256xf32, #tpu.memory_space<hbm>> -> memref<256xf32, #tpu.memory_space<hbm>>
    %dma_wait3A_307 = tpu.memref_slice %arg3[%dma_wait3A_302, %mul3A_46] : memref<24x8192xf32, #tpu.memory_space<hbm>> -> memref<1x256xf32, #tpu.memory_space<hbm>>
    %dma_wait3A_308 = tpu.memref_squeeze %dma_wait3A_307 : memref<1x256xf32, #tpu.memory_space<hbm>> -> memref<256xf32, #tpu.memory_space<hbm>>
    %dma_wait3A_309 = arith.constant 768 : i32
    %dma_wait3A_310 = tpu.memref_slice %arg5[%dma_wait3A_309] : memref<6144xf32, #tpu.memory_space<vmem>> -> memref<256xf32, #tpu.memory_space<vmem>>
    tpu.wait_dma2 semaphore(%arg6 : memref<!tpu.dma_semaphore, #tpu.memory_space<semaphore_mem>>) src(%dma_wait3A_310 : memref<256xf32, #tpu.memory_space<vmem>>) dst(%dma_wait3A_308 : memref<256xf32, #tpu.memory_space<hbm>>)
    %dma_wait3A_311 = arith.constant 4 : i32
    %dma_wait3A_312 = arith.constant 1024 : i32
    %dma_wait3A_313 = tpu.memref_slice %arg5[%dma_wait3A_312] : memref<6144xf32, #tpu.memory_space<vmem>> -> memref<256xf32, #tpu.memory_space<vmem>>
    %dma_wait3A_314 = tpu.memref_slice %arg3[%dma_wait3A_311, %mul3A_57] : memref<24x8192xf32, #tpu.memory_space<hbm>> -> memref<1x256xf32, #tpu.memory_space<hbm>>
    %dma_wait3A_315 = tpu.memref_squeeze %dma_wait3A_314 : memref<1x256xf32, #tpu.memory_space<hbm>> -> memref<256xf32, #tpu.memory_space<hbm>>
    %dma_wait3A_316 = tpu.memref_slice %arg3[%dma_wait3A_311, %mul3A_57] : memref<24x8192xf32, #tpu.memory_space<hbm>> -> memref<1x256xf32, #tpu.memory_space<hbm>>
    %dma_wait3A_317 = tpu.memref_squeeze %dma_wait3A_316 : memref<1x256xf32, #tpu.memory_space<hbm>> -> memref<256xf32, #tpu.memory_space<hbm>>
    %dma_wait3A_318 = arith.constant 1024 : i32
    %dma_wait3A_319 = tpu.memref_slice %arg5[%dma_wait3A_318] : memref<6144xf32, #tpu.memory_space<vmem>> -> memref<256xf32, #tpu.memory_space<vmem>>
    tpu.wait_dma2 semaphore(%arg6 : memref<!tpu.dma_semaphore, #tpu.memory_space<semaphore_mem>>) src(%dma_wait3A_319 : memref<256xf32, #tpu.memory_space<vmem>>) dst(%dma_wait3A_317 : memref<256xf32, #tpu.memory_space<hbm>>)
    %dma_wait3A_320 = arith.constant 5 : i32
    %dma_wait3A_321 = arith.constant 1280 : i32
    %dma_wait3A_322 = tpu.memref_slice %arg5[%dma_wait3A_321] : memref<6144xf32, #tpu.memory_space<vmem>> -> memref<256xf32, #tpu.memory_space<vmem>>
    %dma_wait3A_323 = tpu.memref_slice %arg3[%dma_wait3A_320, %mul3A_68] : memref<24x8192xf32, #tpu.memory_space<hbm>> -> memref<1x256xf32, #tpu.memory_space<hbm>>
    %dma_wait3A_324 = tpu.memref_squeeze %dma_wait3A_323 : memref<1x256xf32, #tpu.memory_space<hbm>> -> memref<256xf32, #tpu.memory_space<hbm>>
    %dma_wait3A_325 = tpu.memref_slice %arg3[%dma_wait3A_320, %mul3A_68] : memref<24x8192xf32, #tpu.memory_space<hbm>> -> memref<1x256xf32, #tpu.memory_space<hbm>>
    %dma_wait3A_326 = tpu.memref_squeeze %dma_wait3A_325 : memref<1x256xf32, #tpu.memory_space<hbm>> -> memref<256xf32, #tpu.memory_space<hbm>>
    %dma_wait3A_327 = arith.constant 1280 : i32
    %dma_wait3A_328 = tpu.memref_slice %arg5[%dma_wait3A_327] : memref<6144xf32, #tpu.memory_space<vmem>> -> memref<256xf32, #tpu.memory_space<vmem>>
    tpu.wait_dma2 semaphore(%arg6 : memref<!tpu.dma_semaphore, #tpu.memory_space<semaphore_mem>>) src(%dma_wait3A_328 : memref<256xf32, #tpu.memory_space<vmem>>) dst(%dma_wait3A_326 : memref<256xf32, #tpu.memory_space<hbm>>)
    %dma_wait3A_329 = arith.constant 6 : i32
    %dma_wait3A_330 = arith.constant 1536 : i32
    %dma_wait3A_331 = tpu.memref_slice %arg5[%dma_wait3A_330] : memref<6144xf32, #tpu.memory_space<vmem>> -> memref<256xf32, #tpu.memory_space<vmem>>
    %dma_wait3A_332 = tpu.memref_slice %arg3[%dma_wait3A_329, %mul3A_79] : memref<24x8192xf32, #tpu.memory_space<hbm>> -> memref<1x256xf32, #tpu.memory_space<hbm>>
    %dma_wait3A_333 = tpu.memref_squeeze %dma_wait3A_332 : memref<1x256xf32, #tpu.memory_space<hbm>> -> memref<256xf32, #tpu.memory_space<hbm>>
    %dma_wait3A_334 = tpu.memref_slice %arg3[%dma_wait3A_329, %mul3A_79] : memref<24x8192xf32, #tpu.memory_space<hbm>> -> memref<1x256xf32, #tpu.memory_space<hbm>>
    %dma_wait3A_335 = tpu.memref_squeeze %dma_wait3A_334 : memref<1x256xf32, #tpu.memory_space<hbm>> -> memref<256xf32, #tpu.memory_space<hbm>>
    %dma_wait3A_336 = arith.constant 1536 : i32
    %dma_wait3A_337 = tpu.memref_slice %arg5[%dma_wait3A_336] : memref<6144xf32, #tpu.memory_space<vmem>> -> memref<256xf32, #tpu.memory_space<vmem>>
    tpu.wait_dma2 semaphore(%arg6 : memref<!tpu.dma_semaphore, #tpu.memory_space<semaphore_mem>>) src(%dma_wait3A_337 : memref<256xf32, #tpu.memory_space<vmem>>) dst(%dma_wait3A_335 : memref<256xf32, #tpu.memory_space<hbm>>)
    %dma_wait3A_338 = arith.constant 7 : i32
    %dma_wait3A_339 = arith.constant 1792 : i32
    %dma_wait3A_340 = tpu.memref_slice %arg5[%dma_wait3A_339] : memref<6144xf32, #tpu.memory_space<vmem>> -> memref<256xf32, #tpu.memory_space<vmem>>
    %dma_wait3A_341 = tpu.memref_slice %arg3[%dma_wait3A_338, %mul3A_90] : memref<24x8192xf32, #tpu.memory_space<hbm>> -> memref<1x256xf32, #tpu.memory_space<hbm>>
    %dma_wait3A_342 = tpu.memref_squeeze %dma_wait3A_341 : memref<1x256xf32, #tpu.memory_space<hbm>> -> memref<256xf32, #tpu.memory_space<hbm>>
    %dma_wait3A_343 = tpu.memref_slice %arg3[%dma_wait3A_338, %mul3A_90] : memref<24x8192xf32, #tpu.memory_space<hbm>> -> memref<1x256xf32, #tpu.memory_space<hbm>>
    %dma_wait3A_344 = tpu.memref_squeeze %dma_wait3A_343 : memref<1x256xf32, #tpu.memory_space<hbm>> -> memref<256xf32, #tpu.memory_space<hbm>>
    %dma_wait3A_345 = arith.constant 1792 : i32
    %dma_wait3A_346 = tpu.memref_slice %arg5[%dma_wait3A_345] : memref<6144xf32, #tpu.memory_space<vmem>> -> memref<256xf32, #tpu.memory_space<vmem>>
    tpu.wait_dma2 semaphore(%arg6 : memref<!tpu.dma_semaphore, #tpu.memory_space<semaphore_mem>>) src(%dma_wait3A_346 : memref<256xf32, #tpu.memory_space<vmem>>) dst(%dma_wait3A_344 : memref<256xf32, #tpu.memory_space<hbm>>)
    %dma_wait3A_347 = arith.constant 8 : i32
    %dma_wait3A_348 = arith.constant 2048 : i32
    %dma_wait3A_349 = tpu.memref_slice %arg5[%dma_wait3A_348] : memref<6144xf32, #tpu.memory_space<vmem>> -> memref<256xf32, #tpu.memory_space<vmem>>
    %dma_wait3A_350 = tpu.memref_slice %arg3[%dma_wait3A_347, %mul3A_101] : memref<24x8192xf32, #tpu.memory_space<hbm>> -> memref<1x256xf32, #tpu.memory_space<hbm>>
    %dma_wait3A_351 = tpu.memref_squeeze %dma_wait3A_350 : memref<1x256xf32, #tpu.memory_space<hbm>> -> memref<256xf32, #tpu.memory_space<hbm>>
    %dma_wait3A_352 = tpu.memref_slice %arg3[%dma_wait3A_347, %mul3A_101] : memref<24x8192xf32, #tpu.memory_space<hbm>> -> memref<1x256xf32, #tpu.memory_space<hbm>>
    %dma_wait3A_353 = tpu.memref_squeeze %dma_wait3A_352 : memref<1x256xf32, #tpu.memory_space<hbm>> -> memref<256xf32, #tpu.memory_space<hbm>>
    %dma_wait3A_354 = arith.constant 2048 : i32
    %dma_wait3A_355 = tpu.memref_slice %arg5[%dma_wait3A_354] : memref<6144xf32, #tpu.memory_space<vmem>> -> memref<256xf32, #tpu.memory_space<vmem>>
    tpu.wait_dma2 semaphore(%arg6 : memref<!tpu.dma_semaphore, #tpu.memory_space<semaphore_mem>>) src(%dma_wait3A_355 : memref<256xf32, #tpu.memory_space<vmem>>) dst(%dma_wait3A_353 : memref<256xf32, #tpu.memory_space<hbm>>)
    %dma_wait3A_356 = arith.constant 9 : i32
    %dma_wait3A_357 = arith.constant 2304 : i32
    %dma_wait3A_358 = tpu.memref_slice %arg5[%dma_wait3A_357] : memref<6144xf32, #tpu.memory_space<vmem>> -> memref<256xf32, #tpu.memory_space<vmem>>
    %dma_wait3A_359 = tpu.memref_slice %arg3[%dma_wait3A_356, %mul3A_112] : memref<24x8192xf32, #tpu.memory_space<hbm>> -> memref<1x256xf32, #tpu.memory_space<hbm>>
    %dma_wait3A_360 = tpu.memref_squeeze %dma_wait3A_359 : memref<1x256xf32, #tpu.memory_space<hbm>> -> memref<256xf32, #tpu.memory_space<hbm>>
    %dma_wait3A_361 = tpu.memref_slice %arg3[%dma_wait3A_356, %mul3A_112] : memref<24x8192xf32, #tpu.memory_space<hbm>> -> memref<1x256xf32, #tpu.memory_space<hbm>>
    %dma_wait3A_362 = tpu.memref_squeeze %dma_wait3A_361 : memref<1x256xf32, #tpu.memory_space<hbm>> -> memref<256xf32, #tpu.memory_space<hbm>>
    %dma_wait3A_363 = arith.constant 2304 : i32
    %dma_wait3A_364 = tpu.memref_slice %arg5[%dma_wait3A_363] : memref<6144xf32, #tpu.memory_space<vmem>> -> memref<256xf32, #tpu.memory_space<vmem>>
    tpu.wait_dma2 semaphore(%arg6 : memref<!tpu.dma_semaphore, #tpu.memory_space<semaphore_mem>>) src(%dma_wait3A_364 : memref<256xf32, #tpu.memory_space<vmem>>) dst(%dma_wait3A_362 : memref<256xf32, #tpu.memory_space<hbm>>)
    %dma_wait3A_365 = arith.constant 10 : i32
    %dma_wait3A_366 = arith.constant 2560 : i32
    %dma_wait3A_367 = tpu.memref_slice %arg5[%dma_wait3A_366] : memref<6144xf32, #tpu.memory_space<vmem>> -> memref<256xf32, #tpu.memory_space<vmem>>
    %dma_wait3A_368 = tpu.memref_slice %arg3[%dma_wait3A_365, %mul3A_123] : memref<24x8192xf32, #tpu.memory_space<hbm>> -> memref<1x256xf32, #tpu.memory_space<hbm>>
    %dma_wait3A_369 = tpu.memref_squeeze %dma_wait3A_368 : memref<1x256xf32, #tpu.memory_space<hbm>> -> memref<256xf32, #tpu.memory_space<hbm>>
    %dma_wait3A_370 = tpu.memref_slice %arg3[%dma_wait3A_365, %mul3A_123] : memref<24x8192xf32, #tpu.memory_space<hbm>> -> memref<1x256xf32, #tpu.memory_space<hbm>>
    %dma_wait3A_371 = tpu.memref_squeeze %dma_wait3A_370 : memref<1x256xf32, #tpu.memory_space<hbm>> -> memref<256xf32, #tpu.memory_space<hbm>>
    %dma_wait3A_372 = arith.constant 2560 : i32
    %dma_wait3A_373 = tpu.memref_slice %arg5[%dma_wait3A_372] : memref<6144xf32, #tpu.memory_space<vmem>> -> memref<256xf32, #tpu.memory_space<vmem>>
    tpu.wait_dma2 semaphore(%arg6 : memref<!tpu.dma_semaphore, #tpu.memory_space<semaphore_mem>>) src(%dma_wait3A_373 : memref<256xf32, #tpu.memory_space<vmem>>) dst(%dma_wait3A_371 : memref<256xf32, #tpu.memory_space<hbm>>)
    %dma_wait3A_374 = arith.constant 11 : i32
    %dma_wait3A_375 = arith.constant 2816 : i32
    %dma_wait3A_376 = tpu.memref_slice %arg5[%dma_wait3A_375] : memref<6144xf32, #tpu.memory_space<vmem>> -> memref<256xf32, #tpu.memory_space<vmem>>
    %dma_wait3A_377 = tpu.memref_slice %arg3[%dma_wait3A_374, %mul3A_134] : memref<24x8192xf32, #tpu.memory_space<hbm>> -> memref<1x256xf32, #tpu.memory_space<hbm>>
    %dma_wait3A_378 = tpu.memref_squeeze %dma_wait3A_377 : memref<1x256xf32, #tpu.memory_space<hbm>> -> memref<256xf32, #tpu.memory_space<hbm>>
    %dma_wait3A_379 = tpu.memref_slice %arg3[%dma_wait3A_374, %mul3A_134] : memref<24x8192xf32, #tpu.memory_space<hbm>> -> memref<1x256xf32, #tpu.memory_space<hbm>>
    %dma_wait3A_380 = tpu.memref_squeeze %dma_wait3A_379 : memref<1x256xf32, #tpu.memory_space<hbm>> -> memref<256xf32, #tpu.memory_space<hbm>>
    %dma_wait3A_381 = arith.constant 2816 : i32
    %dma_wait3A_382 = tpu.memref_slice %arg5[%dma_wait3A_381] : memref<6144xf32, #tpu.memory_space<vmem>> -> memref<256xf32, #tpu.memory_space<vmem>>
    tpu.wait_dma2 semaphore(%arg6 : memref<!tpu.dma_semaphore, #tpu.memory_space<semaphore_mem>>) src(%dma_wait3A_382 : memref<256xf32, #tpu.memory_space<vmem>>) dst(%dma_wait3A_380 : memref<256xf32, #tpu.memory_space<hbm>>)
    %dma_wait3A_383 = arith.constant 12 : i32
    %dma_wait3A_384 = arith.constant 3072 : i32
    %dma_wait3A_385 = tpu.memref_slice %arg5[%dma_wait3A_384] : memref<6144xf32, #tpu.memory_space<vmem>> -> memref<256xf32, #tpu.memory_space<vmem>>
    %dma_wait3A_386 = tpu.memref_slice %arg3[%dma_wait3A_383, %mul3A_145] : memref<24x8192xf32, #tpu.memory_space<hbm>> -> memref<1x256xf32, #tpu.memory_space<hbm>>
    %dma_wait3A_387 = tpu.memref_squeeze %dma_wait3A_386 : memref<1x256xf32, #tpu.memory_space<hbm>> -> memref<256xf32, #tpu.memory_space<hbm>>
    %dma_wait3A_388 = tpu.memref_slice %arg3[%dma_wait3A_383, %mul3A_145] : memref<24x8192xf32, #tpu.memory_space<hbm>> -> memref<1x256xf32, #tpu.memory_space<hbm>>
    %dma_wait3A_389 = tpu.memref_squeeze %dma_wait3A_388 : memref<1x256xf32, #tpu.memory_space<hbm>> -> memref<256xf32, #tpu.memory_space<hbm>>
    %dma_wait3A_390 = arith.constant 3072 : i32
    %dma_wait3A_391 = tpu.memref_slice %arg5[%dma_wait3A_390] : memref<6144xf32, #tpu.memory_space<vmem>> -> memref<256xf32, #tpu.memory_space<vmem>>
    tpu.wait_dma2 semaphore(%arg6 : memref<!tpu.dma_semaphore, #tpu.memory_space<semaphore_mem>>) src(%dma_wait3A_391 : memref<256xf32, #tpu.memory_space<vmem>>) dst(%dma_wait3A_389 : memref<256xf32, #tpu.memory_space<hbm>>)
    %dma_wait3A_392 = arith.constant 13 : i32
    %dma_wait3A_393 = arith.constant 3328 : i32
    %dma_wait3A_394 = tpu.memref_slice %arg5[%dma_wait3A_393] : memref<6144xf32, #tpu.memory_space<vmem>> -> memref<256xf32, #tpu.memory_space<vmem>>
    %dma_wait3A_395 = tpu.memref_slice %arg3[%dma_wait3A_392, %mul3A_156] : memref<24x8192xf32, #tpu.memory_space<hbm>> -> memref<1x256xf32, #tpu.memory_space<hbm>>
    %dma_wait3A_396 = tpu.memref_squeeze %dma_wait3A_395 : memref<1x256xf32, #tpu.memory_space<hbm>> -> memref<256xf32, #tpu.memory_space<hbm>>
    %dma_wait3A_397 = tpu.memref_slice %arg3[%dma_wait3A_392, %mul3A_156] : memref<24x8192xf32, #tpu.memory_space<hbm>> -> memref<1x256xf32, #tpu.memory_space<hbm>>
    %dma_wait3A_398 = tpu.memref_squeeze %dma_wait3A_397 : memref<1x256xf32, #tpu.memory_space<hbm>> -> memref<256xf32, #tpu.memory_space<hbm>>
    %dma_wait3A_399 = arith.constant 3328 : i32
    %dma_wait3A_400 = tpu.memref_slice %arg5[%dma_wait3A_399] : memref<6144xf32, #tpu.memory_space<vmem>> -> memref<256xf32, #tpu.memory_space<vmem>>
    tpu.wait_dma2 semaphore(%arg6 : memref<!tpu.dma_semaphore, #tpu.memory_space<semaphore_mem>>) src(%dma_wait3A_400 : memref<256xf32, #tpu.memory_space<vmem>>) dst(%dma_wait3A_398 : memref<256xf32, #tpu.memory_space<hbm>>)
    %dma_wait3A_401 = arith.constant 14 : i32
    %dma_wait3A_402 = arith.constant 3584 : i32
    %dma_wait3A_403 = tpu.memref_slice %arg5[%dma_wait3A_402] : memref<6144xf32, #tpu.memory_space<vmem>> -> memref<256xf32, #tpu.memory_space<vmem>>
    %dma_wait3A_404 = tpu.memref_slice %arg3[%dma_wait3A_401, %mul3A_167] : memref<24x8192xf32, #tpu.memory_space<hbm>> -> memref<1x256xf32, #tpu.memory_space<hbm>>
    %dma_wait3A_405 = tpu.memref_squeeze %dma_wait3A_404 : memref<1x256xf32, #tpu.memory_space<hbm>> -> memref<256xf32, #tpu.memory_space<hbm>>
    %dma_wait3A_406 = tpu.memref_slice %arg3[%dma_wait3A_401, %mul3A_167] : memref<24x8192xf32, #tpu.memory_space<hbm>> -> memref<1x256xf32, #tpu.memory_space<hbm>>
    %dma_wait3A_407 = tpu.memref_squeeze %dma_wait3A_406 : memref<1x256xf32, #tpu.memory_space<hbm>> -> memref<256xf32, #tpu.memory_space<hbm>>
    %dma_wait3A_408 = arith.constant 3584 : i32
    %dma_wait3A_409 = tpu.memref_slice %arg5[%dma_wait3A_408] : memref<6144xf32, #tpu.memory_space<vmem>> -> memref<256xf32, #tpu.memory_space<vmem>>
    tpu.wait_dma2 semaphore(%arg6 : memref<!tpu.dma_semaphore, #tpu.memory_space<semaphore_mem>>) src(%dma_wait3A_409 : memref<256xf32, #tpu.memory_space<vmem>>) dst(%dma_wait3A_407 : memref<256xf32, #tpu.memory_space<hbm>>)
    %dma_wait3A_410 = arith.constant 15 : i32
    %dma_wait3A_411 = arith.constant 3840 : i32
    %dma_wait3A_412 = tpu.memref_slice %arg5[%dma_wait3A_411] : memref<6144xf32, #tpu.memory_space<vmem>> -> memref<256xf32, #tpu.memory_space<vmem>>
    %dma_wait3A_413 = tpu.memref_slice %arg3[%dma_wait3A_410, %mul3A_178] : memref<24x8192xf32, #tpu.memory_space<hbm>> -> memref<1x256xf32, #tpu.memory_space<hbm>>
    %dma_wait3A_414 = tpu.memref_squeeze %dma_wait3A_413 : memref<1x256xf32, #tpu.memory_space<hbm>> -> memref<256xf32, #tpu.memory_space<hbm>>
    %dma_wait3A_415 = tpu.memref_slice %arg3[%dma_wait3A_410, %mul3A_178] : memref<24x8192xf32, #tpu.memory_space<hbm>> -> memref<1x256xf32, #tpu.memory_space<hbm>>
    %dma_wait3A_416 = tpu.memref_squeeze %dma_wait3A_415 : memref<1x256xf32, #tpu.memory_space<hbm>> -> memref<256xf32, #tpu.memory_space<hbm>>
    %dma_wait3A_417 = arith.constant 3840 : i32
    %dma_wait3A_418 = tpu.memref_slice %arg5[%dma_wait3A_417] : memref<6144xf32, #tpu.memory_space<vmem>> -> memref<256xf32, #tpu.memory_space<vmem>>
    tpu.wait_dma2 semaphore(%arg6 : memref<!tpu.dma_semaphore, #tpu.memory_space<semaphore_mem>>) src(%dma_wait3A_418 : memref<256xf32, #tpu.memory_space<vmem>>) dst(%dma_wait3A_416 : memref<256xf32, #tpu.memory_space<hbm>>)
    %dma_wait3A_419 = arith.constant 16 : i32
    %dma_wait3A_420 = arith.constant 4096 : i32
    %dma_wait3A_421 = tpu.memref_slice %arg5[%dma_wait3A_420] : memref<6144xf32, #tpu.memory_space<vmem>> -> memref<256xf32, #tpu.memory_space<vmem>>
    %dma_wait3A_422 = tpu.memref_slice %arg3[%dma_wait3A_419, %mul3A_189] : memref<24x8192xf32, #tpu.memory_space<hbm>> -> memref<1x256xf32, #tpu.memory_space<hbm>>
    %dma_wait3A_423 = tpu.memref_squeeze %dma_wait3A_422 : memref<1x256xf32, #tpu.memory_space<hbm>> -> memref<256xf32, #tpu.memory_space<hbm>>
    %dma_wait3A_424 = tpu.memref_slice %arg3[%dma_wait3A_419, %mul3A_189] : memref<24x8192xf32, #tpu.memory_space<hbm>> -> memref<1x256xf32, #tpu.memory_space<hbm>>
    %dma_wait3A_425 = tpu.memref_squeeze %dma_wait3A_424 : memref<1x256xf32, #tpu.memory_space<hbm>> -> memref<256xf32, #tpu.memory_space<hbm>>
    %dma_wait3A_426 = arith.constant 4096 : i32
    %dma_wait3A_427 = tpu.memref_slice %arg5[%dma_wait3A_426] : memref<6144xf32, #tpu.memory_space<vmem>> -> memref<256xf32, #tpu.memory_space<vmem>>
    tpu.wait_dma2 semaphore(%arg6 : memref<!tpu.dma_semaphore, #tpu.memory_space<semaphore_mem>>) src(%dma_wait3A_427 : memref<256xf32, #tpu.memory_space<vmem>>) dst(%dma_wait3A_425 : memref<256xf32, #tpu.memory_space<hbm>>)
    %dma_wait3A_428 = arith.constant 17 : i32
    %dma_wait3A_429 = arith.constant 4352 : i32
    %dma_wait3A_430 = tpu.memref_slice %arg5[%dma_wait3A_429] : memref<6144xf32, #tpu.memory_space<vmem>> -> memref<256xf32, #tpu.memory_space<vmem>>
    %dma_wait3A_431 = tpu.memref_slice %arg3[%dma_wait3A_428, %mul3A_200] : memref<24x8192xf32, #tpu.memory_space<hbm>> -> memref<1x256xf32, #tpu.memory_space<hbm>>
    %dma_wait3A_432 = tpu.memref_squeeze %dma_wait3A_431 : memref<1x256xf32, #tpu.memory_space<hbm>> -> memref<256xf32, #tpu.memory_space<hbm>>
    %dma_wait3A_433 = tpu.memref_slice %arg3[%dma_wait3A_428, %mul3A_200] : memref<24x8192xf32, #tpu.memory_space<hbm>> -> memref<1x256xf32, #tpu.memory_space<hbm>>
    %dma_wait3A_434 = tpu.memref_squeeze %dma_wait3A_433 : memref<1x256xf32, #tpu.memory_space<hbm>> -> memref<256xf32, #tpu.memory_space<hbm>>
    %dma_wait3A_435 = arith.constant 4352 : i32
    %dma_wait3A_436 = tpu.memref_slice %arg5[%dma_wait3A_435] : memref<6144xf32, #tpu.memory_space<vmem>> -> memref<256xf32, #tpu.memory_space<vmem>>
    tpu.wait_dma2 semaphore(%arg6 : memref<!tpu.dma_semaphore, #tpu.memory_space<semaphore_mem>>) src(%dma_wait3A_436 : memref<256xf32, #tpu.memory_space<vmem>>) dst(%dma_wait3A_434 : memref<256xf32, #tpu.memory_space<hbm>>)
    %dma_wait3A_437 = arith.constant 18 : i32
    %dma_wait3A_438 = arith.constant 4608 : i32
    %dma_wait3A_439 = tpu.memref_slice %arg5[%dma_wait3A_438] : memref<6144xf32, #tpu.memory_space<vmem>> -> memref<256xf32, #tpu.memory_space<vmem>>
    %dma_wait3A_440 = tpu.memref_slice %arg3[%dma_wait3A_437, %mul3A_211] : memref<24x8192xf32, #tpu.memory_space<hbm>> -> memref<1x256xf32, #tpu.memory_space<hbm>>
    %dma_wait3A_441 = tpu.memref_squeeze %dma_wait3A_440 : memref<1x256xf32, #tpu.memory_space<hbm>> -> memref<256xf32, #tpu.memory_space<hbm>>
    %dma_wait3A_442 = tpu.memref_slice %arg3[%dma_wait3A_437, %mul3A_211] : memref<24x8192xf32, #tpu.memory_space<hbm>> -> memref<1x256xf32, #tpu.memory_space<hbm>>
    %dma_wait3A_443 = tpu.memref_squeeze %dma_wait3A_442 : memref<1x256xf32, #tpu.memory_space<hbm>> -> memref<256xf32, #tpu.memory_space<hbm>>
    %dma_wait3A_444 = arith.constant 4608 : i32
    %dma_wait3A_445 = tpu.memref_slice %arg5[%dma_wait3A_444] : memref<6144xf32, #tpu.memory_space<vmem>> -> memref<256xf32, #tpu.memory_space<vmem>>
    tpu.wait_dma2 semaphore(%arg6 : memref<!tpu.dma_semaphore, #tpu.memory_space<semaphore_mem>>) src(%dma_wait3A_445 : memref<256xf32, #tpu.memory_space<vmem>>) dst(%dma_wait3A_443 : memref<256xf32, #tpu.memory_space<hbm>>)
    %dma_wait3A_446 = arith.constant 19 : i32
    %dma_wait3A_447 = arith.constant 4864 : i32
    %dma_wait3A_448 = tpu.memref_slice %arg5[%dma_wait3A_447] : memref<6144xf32, #tpu.memory_space<vmem>> -> memref<256xf32, #tpu.memory_space<vmem>>
    %dma_wait3A_449 = tpu.memref_slice %arg3[%dma_wait3A_446, %mul3A_222] : memref<24x8192xf32, #tpu.memory_space<hbm>> -> memref<1x256xf32, #tpu.memory_space<hbm>>
    %dma_wait3A_450 = tpu.memref_squeeze %dma_wait3A_449 : memref<1x256xf32, #tpu.memory_space<hbm>> -> memref<256xf32, #tpu.memory_space<hbm>>
    %dma_wait3A_451 = tpu.memref_slice %arg3[%dma_wait3A_446, %mul3A_222] : memref<24x8192xf32, #tpu.memory_space<hbm>> -> memref<1x256xf32, #tpu.memory_space<hbm>>
    %dma_wait3A_452 = tpu.memref_squeeze %dma_wait3A_451 : memref<1x256xf32, #tpu.memory_space<hbm>> -> memref<256xf32, #tpu.memory_space<hbm>>
    %dma_wait3A_453 = arith.constant 4864 : i32
    %dma_wait3A_454 = tpu.memref_slice %arg5[%dma_wait3A_453] : memref<6144xf32, #tpu.memory_space<vmem>> -> memref<256xf32, #tpu.memory_space<vmem>>
    tpu.wait_dma2 semaphore(%arg6 : memref<!tpu.dma_semaphore, #tpu.memory_space<semaphore_mem>>) src(%dma_wait3A_454 : memref<256xf32, #tpu.memory_space<vmem>>) dst(%dma_wait3A_452 : memref<256xf32, #tpu.memory_space<hbm>>)
    %dma_wait3A_455 = arith.constant 20 : i32
    %dma_wait3A_456 = arith.constant 5120 : i32
    %dma_wait3A_457 = tpu.memref_slice %arg5[%dma_wait3A_456] : memref<6144xf32, #tpu.memory_space<vmem>> -> memref<256xf32, #tpu.memory_space<vmem>>
    %dma_wait3A_458 = tpu.memref_slice %arg3[%dma_wait3A_455, %mul3A_233] : memref<24x8192xf32, #tpu.memory_space<hbm>> -> memref<1x256xf32, #tpu.memory_space<hbm>>
    %dma_wait3A_459 = tpu.memref_squeeze %dma_wait3A_458 : memref<1x256xf32, #tpu.memory_space<hbm>> -> memref<256xf32, #tpu.memory_space<hbm>>
    %dma_wait3A_460 = tpu.memref_slice %arg3[%dma_wait3A_455, %mul3A_233] : memref<24x8192xf32, #tpu.memory_space<hbm>> -> memref<1x256xf32, #tpu.memory_space<hbm>>
    %dma_wait3A_461 = tpu.memref_squeeze %dma_wait3A_460 : memref<1x256xf32, #tpu.memory_space<hbm>> -> memref<256xf32, #tpu.memory_space<hbm>>
    %dma_wait3A_462 = arith.constant 5120 : i32
    %dma_wait3A_463 = tpu.memref_slice %arg5[%dma_wait3A_462] : memref<6144xf32, #tpu.memory_space<vmem>> -> memref<256xf32, #tpu.memory_space<vmem>>
    tpu.wait_dma2 semaphore(%arg6 : memref<!tpu.dma_semaphore, #tpu.memory_space<semaphore_mem>>) src(%dma_wait3A_463 : memref<256xf32, #tpu.memory_space<vmem>>) dst(%dma_wait3A_461 : memref<256xf32, #tpu.memory_space<hbm>>)
    %dma_wait3A_464 = arith.constant 21 : i32
    %dma_wait3A_465 = arith.constant 5376 : i32
    %dma_wait3A_466 = tpu.memref_slice %arg5[%dma_wait3A_465] : memref<6144xf32, #tpu.memory_space<vmem>> -> memref<256xf32, #tpu.memory_space<vmem>>
    %dma_wait3A_467 = tpu.memref_slice %arg3[%dma_wait3A_464, %mul3A_244] : memref<24x8192xf32, #tpu.memory_space<hbm>> -> memref<1x256xf32, #tpu.memory_space<hbm>>
    %dma_wait3A_468 = tpu.memref_squeeze %dma_wait3A_467 : memref<1x256xf32, #tpu.memory_space<hbm>> -> memref<256xf32, #tpu.memory_space<hbm>>
    %dma_wait3A_469 = tpu.memref_slice %arg3[%dma_wait3A_464, %mul3A_244] : memref<24x8192xf32, #tpu.memory_space<hbm>> -> memref<1x256xf32, #tpu.memory_space<hbm>>
    %dma_wait3A_470 = tpu.memref_squeeze %dma_wait3A_469 : memref<1x256xf32, #tpu.memory_space<hbm>> -> memref<256xf32, #tpu.memory_space<hbm>>
    %dma_wait3A_471 = arith.constant 5376 : i32
    %dma_wait3A_472 = tpu.memref_slice %arg5[%dma_wait3A_471] : memref<6144xf32, #tpu.memory_space<vmem>> -> memref<256xf32, #tpu.memory_space<vmem>>
    tpu.wait_dma2 semaphore(%arg6 : memref<!tpu.dma_semaphore, #tpu.memory_space<semaphore_mem>>) src(%dma_wait3A_472 : memref<256xf32, #tpu.memory_space<vmem>>) dst(%dma_wait3A_470 : memref<256xf32, #tpu.memory_space<hbm>>)
    %dma_wait3A_473 = arith.constant 22 : i32
    %dma_wait3A_474 = arith.constant 5632 : i32
    %dma_wait3A_475 = tpu.memref_slice %arg5[%dma_wait3A_474] : memref<6144xf32, #tpu.memory_space<vmem>> -> memref<256xf32, #tpu.memory_space<vmem>>
    %dma_wait3A_476 = tpu.memref_slice %arg3[%dma_wait3A_473, %mul3A_255] : memref<24x8192xf32, #tpu.memory_space<hbm>> -> memref<1x256xf32, #tpu.memory_space<hbm>>
    %dma_wait3A_477 = tpu.memref_squeeze %dma_wait3A_476 : memref<1x256xf32, #tpu.memory_space<hbm>> -> memref<256xf32, #tpu.memory_space<hbm>>
    %dma_wait3A_478 = tpu.memref_slice %arg3[%dma_wait3A_473, %mul3A_255] : memref<24x8192xf32, #tpu.memory_space<hbm>> -> memref<1x256xf32, #tpu.memory_space<hbm>>
    %dma_wait3A_479 = tpu.memref_squeeze %dma_wait3A_478 : memref<1x256xf32, #tpu.memory_space<hbm>> -> memref<256xf32, #tpu.memory_space<hbm>>
    %dma_wait3A_480 = arith.constant 5632 : i32
    %dma_wait3A_481 = tpu.memref_slice %arg5[%dma_wait3A_480] : memref<6144xf32, #tpu.memory_space<vmem>> -> memref<256xf32, #tpu.memory_space<vmem>>
    tpu.wait_dma2 semaphore(%arg6 : memref<!tpu.dma_semaphore, #tpu.memory_space<semaphore_mem>>) src(%dma_wait3A_481 : memref<256xf32, #tpu.memory_space<vmem>>) dst(%dma_wait3A_479 : memref<256xf32, #tpu.memory_space<hbm>>)
    %dma_wait3A_482 = arith.constant 23 : i32
    %dma_wait3A_483 = arith.constant 5888 : i32
    %dma_wait3A_484 = tpu.memref_slice %arg5[%dma_wait3A_483] : memref<6144xf32, #tpu.memory_space<vmem>> -> memref<256xf32, #tpu.memory_space<vmem>>
    %dma_wait3A_485 = tpu.memref_slice %arg3[%dma_wait3A_482, %mul3A_266] : memref<24x8192xf32, #tpu.memory_space<hbm>> -> memref<1x256xf32, #tpu.memory_space<hbm>>
    %dma_wait3A_486 = tpu.memref_squeeze %dma_wait3A_485 : memref<1x256xf32, #tpu.memory_space<hbm>> -> memref<256xf32, #tpu.memory_space<hbm>>
    %dma_wait3A_487 = tpu.memref_slice %arg3[%dma_wait3A_482, %mul3A_266] : memref<24x8192xf32, #tpu.memory_space<hbm>> -> memref<1x256xf32, #tpu.memory_space<hbm>>
    %dma_wait3A_488 = tpu.memref_squeeze %dma_wait3A_487 : memref<1x256xf32, #tpu.memory_space<hbm>> -> memref<256xf32, #tpu.memory_space<hbm>>
    %dma_wait3A_489 = arith.constant 5888 : i32
    %dma_wait3A_490 = tpu.memref_slice %arg5[%dma_wait3A_489] : memref<6144xf32, #tpu.memory_space<vmem>> -> memref<256xf32, #tpu.memory_space<vmem>>
    tpu.wait_dma2 semaphore(%arg6 : memref<!tpu.dma_semaphore, #tpu.memory_space<semaphore_mem>>) src(%dma_wait3A_490 : memref<256xf32, #tpu.memory_space<vmem>>) dst(%dma_wait3A_488 : memref<256xf32, #tpu.memory_space<hbm>>)
    return
  }
}

module attributes {stable_mosaic.version = 14 : i64} {
  func.func @_prep_kernel(%arg0: i32, %arg1: memref<24x8192xf32, #tpu.memory_space<vmem>>, %arg2: memref<256x8192xf32, #tpu.memory_space<vmem>>, %arg3: memref<18x8x8192xf32, #tpu.memory_space<vmem>>, %arg4: memref<256x24xf32, #tpu.memory_space<vmem>>, %arg5: memref<256x24xf32, #tpu.memory_space<vmem>>, %arg6: memref<1x1xf32, #tpu.memory_space<smem>>) attributes {dimension_semantics = [#tpu.dimension_semantics<arbitrary>], iteration_bounds = array<i64: 1>, scalar_prefetch = 0 : i64, scratch_operands = 0 : i64, tpu.core_type = #tpu.core_type<tc>, window_params = [{pipeline_mode = #tpu.pipeline_mode<synchronous>, transform_indices = @transform_0, window_bounds = array<i64: 24, 8192>}, {transform_indices = @transform_1, window_bounds = array<i64: 256, 8192>}, {pipeline_mode = #tpu.pipeline_mode<synchronous>, transform_indices = @transform_2, window_bounds = array<i64: 18, 8, 8192>}, {transform_indices = @transform_3, window_bounds = array<i64: 256, 24>}, {transform_indices = @transform_4, window_bounds = array<i64: 256, 24>}, {transform_indices = @transform_5, window_bounds = array<i64: 1, 1>}]} {
    %eq3A = arith.constant 0 : i32
    %eq3A_0 = arith.cmpi eq, %arg0, %eq3A : i32
    %convert_element_type3A = arith.extui %eq3A_0 : i1 to i32
    %cond3A = arith.constant 0 : i32
    %cond3A_1 = arith.cmpi ne, %convert_element_type3A, %cond3A : i32
    scf.if %cond3A_1 {
      %get3A_18 = arith.constant 0 : index
      %get3A_19 = arith.constant 0 : index
      %get3A_20 = vector.load %arg1[%get3A_18, %get3A_19] : memref<24x8192xf32, #tpu.memory_space<vmem>>, vector<24x8192xf32>
      %reduce_sum3A = arith.constant dense<0.000000e+00> : vector<24xf32>
      %reduce_sum3A_21 = vector.multi_reduction <add>, %get3A_20, %reduce_sum3A [1] : vector<24x8192xf32> to vector<24xf32>
      %broadcast_in_dim3A = vector.shape_cast %reduce_sum3A_21 : vector<24xf32> to vector<24x1xf32>
      %gt3A = arith.constant 0.000000e+00 : f32
      %gt3A_22 = vector.broadcast %gt3A : f32 to vector<24x1xf32>
      %gt3A_23 = arith.cmpf ogt, %broadcast_in_dim3A, %gt3A_22 : vector<24x1xf32>
      %convert_element_type3A_24 = arith.extui %gt3A_23 : vector<24x1xi1> to vector<24x1xi32>
      %convert_element_type3A_25 = arith.sitofp %convert_element_type3A_24 : vector<24x1xi32> to vector<24x1xf32>
      %reduce_sum3A_26 = vector.shape_cast %convert_element_type3A_25 : vector<24x1xf32> to vector<1x24x1xf32>
      %reduce_sum3A_27 = arith.constant dense<0.000000e+00> : vector<1xf32>
      %reduce_sum3A_28 = vector.multi_reduction <add>, %reduce_sum3A_26, %reduce_sum3A_27 [1, 2] : vector<1x24x1xf32> to vector<1xf32>
      %reduce_sum3A_29 = vector.shape_cast %reduce_sum3A_28 : vector<1xf32> to vector<1x1x1xf32>
      %reduce_sum3A_30 = vector.extract %reduce_sum3A_29[0, 0, 0] : f32 from vector<1x1x1xf32>
      %swap3A_31 = arith.constant 0 : index
      %swap3A_32 = arith.constant 0 : index
      %swap3A_33 = memref.load %arg6[%swap3A_31, %swap3A_32] : memref<1x1xf32, #tpu.memory_space<smem>>
      memref.store %reduce_sum3A_30, %arg6[%swap3A_31, %swap3A_32] : memref<1x1xf32, #tpu.memory_space<smem>>
      %get3A_34 = arith.constant 1 : index
      %get3A_35 = arith.constant 0 : index
      %get3A_36 = vector.load %arg1[%get3A_34, %get3A_35] : memref<24x8192xf32, #tpu.memory_space<vmem>>, vector<1x8192xf32>
      %get3A_37 = vector.shape_cast %get3A_36 : vector<1x8192xf32> to vector<8192xf32>
      %broadcast_in_dim3A_38 = vector.shape_cast %get3A_37 : vector<8192xf32> to vector<1x8192xf32>
      %broadcast_in_dim3A_39 = vector.broadcast %broadcast_in_dim3A_38 : vector<1x8192xf32> to vector<8x8192xf32>
      %swap3A_40 = arith.constant 0 : index
      %swap3A_41 = arith.constant 0 : index
      %swap3A_42 = arith.constant 0 : index
      %swap3A_43 = vector.load %arg3[%swap3A_40, %swap3A_41, %swap3A_42] : memref<18x8x8192xf32, #tpu.memory_space<vmem>>, vector<1x8x8192xf32>
      %swap3A_44 = vector.shape_cast %swap3A_43 : vector<1x8x8192xf32> to vector<8x8192xf32>
      %swap3A_45 = vector.shape_cast %broadcast_in_dim3A_39 : vector<8x8192xf32> to vector<1x8x8192xf32>
      tpu.vector_store %arg3[%swap3A_40, %swap3A_41, %swap3A_42], %swap3A_45 {strides = array<i32>} : memref<18x8x8192xf32, #tpu.memory_space<vmem>>, vector<1x8x8192xf32>,
      %get3A_46 = arith.constant 2 : index
      %get3A_47 = arith.constant 0 : index
      %get3A_48 = vector.load %arg1[%get3A_46, %get3A_47] : memref<24x8192xf32, #tpu.memory_space<vmem>>, vector<1x8192xf32>
      %get3A_49 = vector.shape_cast %get3A_48 : vector<1x8192xf32> to vector<8192xf32>
      %broadcast_in_dim3A_50 = vector.shape_cast %get3A_49 : vector<8192xf32> to vector<1x8192xf32>
      %broadcast_in_dim3A_51 = vector.broadcast %broadcast_in_dim3A_50 : vector<1x8192xf32> to vector<8x8192xf32>
      %swap3A_52 = arith.constant 1 : index
      %swap3A_53 = arith.constant 0 : index
      %swap3A_54 = arith.constant 0 : index
      %swap3A_55 = vector.load %arg3[%swap3A_52, %swap3A_53, %swap3A_54] : memref<18x8x8192xf32, #tpu.memory_space<vmem>>, vector<1x8x8192xf32>
      %swap3A_56 = vector.shape_cast %swap3A_55 : vector<1x8x8192xf32> to vector<8x8192xf32>
      %swap3A_57 = vector.shape_cast %broadcast_in_dim3A_51 : vector<8x8192xf32> to vector<1x8x8192xf32>
      tpu.vector_store %arg3[%swap3A_52, %swap3A_53, %swap3A_54], %swap3A_57 {strides = array<i32>} : memref<18x8x8192xf32, #tpu.memory_space<vmem>>, vector<1x8x8192xf32>,
      %get3A_58 = arith.constant 3 : index
      %get3A_59 = arith.constant 0 : index
      %get3A_60 = vector.load %arg1[%get3A_58, %get3A_59] : memref<24x8192xf32, #tpu.memory_space<vmem>>, vector<1x8192xf32>
      %get3A_61 = vector.shape_cast %get3A_60 : vector<1x8192xf32> to vector<8192xf32>
      %broadcast_in_dim3A_62 = vector.shape_cast %get3A_61 : vector<8192xf32> to vector<1x8192xf32>
      %broadcast_in_dim3A_63 = vector.broadcast %broadcast_in_dim3A_62 : vector<1x8192xf32> to vector<8x8192xf32>
      %swap3A_64 = arith.constant 2 : index
      %swap3A_65 = arith.constant 0 : index
      %swap3A_66 = arith.constant 0 : index
      %swap3A_67 = vector.load %arg3[%swap3A_64, %swap3A_65, %swap3A_66] : memref<18x8x8192xf32, #tpu.memory_space<vmem>>, vector<1x8x8192xf32>
      %swap3A_68 = vector.shape_cast %swap3A_67 : vector<1x8x8192xf32> to vector<8x8192xf32>
      %swap3A_69 = vector.shape_cast %broadcast_in_dim3A_63 : vector<8x8192xf32> to vector<1x8x8192xf32>
      tpu.vector_store %arg3[%swap3A_64, %swap3A_65, %swap3A_66], %swap3A_69 {strides = array<i32>} : memref<18x8x8192xf32, #tpu.memory_space<vmem>>, vector<1x8x8192xf32>,
      %get3A_70 = arith.constant 4 : index
      %get3A_71 = arith.constant 0 : index
      %get3A_72 = vector.load %arg1[%get3A_70, %get3A_71] : memref<24x8192xf32, #tpu.memory_space<vmem>>, vector<1x8192xf32>
      %get3A_73 = vector.shape_cast %get3A_72 : vector<1x8192xf32> to vector<8192xf32>
      %broadcast_in_dim3A_74 = vector.shape_cast %get3A_73 : vector<8192xf32> to vector<1x8192xf32>
      %broadcast_in_dim3A_75 = vector.broadcast %broadcast_in_dim3A_74 : vector<1x8192xf32> to vector<8x8192xf32>
      %swap3A_76 = arith.constant 3 : index
      %swap3A_77 = arith.constant 0 : index
      %swap3A_78 = arith.constant 0 : index
      %swap3A_79 = vector.load %arg3[%swap3A_76, %swap3A_77, %swap3A_78] : memref<18x8x8192xf32, #tpu.memory_space<vmem>>, vector<1x8x8192xf32>
      %swap3A_80 = vector.shape_cast %swap3A_79 : vector<1x8x8192xf32> to vector<8x8192xf32>
      %swap3A_81 = vector.shape_cast %broadcast_in_dim3A_75 : vector<8x8192xf32> to vector<1x8x8192xf32>
      tpu.vector_store %arg3[%swap3A_76, %swap3A_77, %swap3A_78], %swap3A_81 {strides = array<i32>} : memref<18x8x8192xf32, #tpu.memory_space<vmem>>, vector<1x8x8192xf32>,
      %get3A_82 = arith.constant 5 : index
      %get3A_83 = arith.constant 0 : index
      %get3A_84 = vector.load %arg1[%get3A_82, %get3A_83] : memref<24x8192xf32, #tpu.memory_space<vmem>>, vector<1x8192xf32>
      %get3A_85 = vector.shape_cast %get3A_84 : vector<1x8192xf32> to vector<8192xf32>
      %broadcast_in_dim3A_86 = vector.shape_cast %get3A_85 : vector<8192xf32> to vector<1x8192xf32>
      %broadcast_in_dim3A_87 = vector.broadcast %broadcast_in_dim3A_86 : vector<1x8192xf32> to vector<8x8192xf32>
      %swap3A_88 = arith.constant 4 : index
      %swap3A_89 = arith.constant 0 : index
      %swap3A_90 = arith.constant 0 : index
      %swap3A_91 = vector.load %arg3[%swap3A_88, %swap3A_89, %swap3A_90] : memref<18x8x8192xf32, #tpu.memory_space<vmem>>, vector<1x8x8192xf32>
      %swap3A_92 = vector.shape_cast %swap3A_91 : vector<1x8x8192xf32> to vector<8x8192xf32>
      %swap3A_93 = vector.shape_cast %broadcast_in_dim3A_87 : vector<8x8192xf32> to vector<1x8x8192xf32>
      tpu.vector_store %arg3[%swap3A_88, %swap3A_89, %swap3A_90], %swap3A_93 {strides = array<i32>} : memref<18x8x8192xf32, #tpu.memory_space<vmem>>, vector<1x8x8192xf32>,
      %get3A_94 = arith.constant 6 : index
      %get3A_95 = arith.constant 0 : index
      %get3A_96 = vector.load %arg1[%get3A_94, %get3A_95] : memref<24x8192xf32, #tpu.memory_space<vmem>>, vector<1x8192xf32>
      %get3A_97 = vector.shape_cast %get3A_96 : vector<1x8192xf32> to vector<8192xf32>
      %broadcast_in_dim3A_98 = vector.shape_cast %get3A_97 : vector<8192xf32> to vector<1x8192xf32>
      %broadcast_in_dim3A_99 = vector.broadcast %broadcast_in_dim3A_98 : vector<1x8192xf32> to vector<8x8192xf32>
      %swap3A_100 = arith.constant 5 : index
      %swap3A_101 = arith.constant 0 : index
      %swap3A_102 = arith.constant 0 : index
      %swap3A_103 = vector.load %arg3[%swap3A_100, %swap3A_101, %swap3A_102] : memref<18x8x8192xf32, #tpu.memory_space<vmem>>, vector<1x8x8192xf32>
      %swap3A_104 = vector.shape_cast %swap3A_103 : vector<1x8x8192xf32> to vector<8x8192xf32>
      %swap3A_105 = vector.shape_cast %broadcast_in_dim3A_99 : vector<8x8192xf32> to vector<1x8x8192xf32>
      tpu.vector_store %arg3[%swap3A_100, %swap3A_101, %swap3A_102], %swap3A_105 {strides = array<i32>} : memref<18x8x8192xf32, #tpu.memory_space<vmem>>, vector<1x8x8192xf32>,
      %get3A_106 = arith.constant 7 : index
      %get3A_107 = arith.constant 0 : index
      %get3A_108 = vector.load %arg1[%get3A_106, %get3A_107] : memref<24x8192xf32, #tpu.memory_space<vmem>>, vector<1x8192xf32>
      %get3A_109 = vector.shape_cast %get3A_108 : vector<1x8192xf32> to vector<8192xf32>
      %broadcast_in_dim3A_110 = vector.shape_cast %get3A_109 : vector<8192xf32> to vector<1x8192xf32>
      %broadcast_in_dim3A_111 = vector.broadcast %broadcast_in_dim3A_110 : vector<1x8192xf32> to vector<8x8192xf32>
      %swap3A_112 = arith.constant 6 : index
      %swap3A_113 = arith.constant 0 : index
      %swap3A_114 = arith.constant 0 : index
      %swap3A_115 = vector.load %arg3[%swap3A_112, %swap3A_113, %swap3A_114] : memref<18x8x8192xf32, #tpu.memory_space<vmem>>, vector<1x8x8192xf32>
      %swap3A_116 = vector.shape_cast %swap3A_115 : vector<1x8x8192xf32> to vector<8x8192xf32>
      %swap3A_117 = vector.shape_cast %broadcast_in_dim3A_111 : vector<8x8192xf32> to vector<1x8x8192xf32>
      tpu.vector_store %arg3[%swap3A_112, %swap3A_113, %swap3A_114], %swap3A_117 {strides = array<i32>} : memref<18x8x8192xf32, #tpu.memory_space<vmem>>, vector<1x8x8192xf32>,
      %get3A_118 = arith.constant 8 : index
      %get3A_119 = arith.constant 0 : index
      %get3A_120 = vector.load %arg1[%get3A_118, %get3A_119] : memref<24x8192xf32, #tpu.memory_space<vmem>>, vector<1x8192xf32>
      %get3A_121 = vector.shape_cast %get3A_120 : vector<1x8192xf32> to vector<8192xf32>
      %broadcast_in_dim3A_122 = vector.shape_cast %get3A_121 : vector<8192xf32> to vector<1x8192xf32>
      %broadcast_in_dim3A_123 = vector.broadcast %broadcast_in_dim3A_122 : vector<1x8192xf32> to vector<8x8192xf32>
      %swap3A_124 = arith.constant 7 : index
      %swap3A_125 = arith.constant 0 : index
      %swap3A_126 = arith.constant 0 : index
      %swap3A_127 = vector.load %arg3[%swap3A_124, %swap3A_125, %swap3A_126] : memref<18x8x8192xf32, #tpu.memory_space<vmem>>, vector<1x8x8192xf32>
      %swap3A_128 = vector.shape_cast %swap3A_127 : vector<1x8x8192xf32> to vector<8x8192xf32>
      %swap3A_129 = vector.shape_cast %broadcast_in_dim3A_123 : vector<8x8192xf32> to vector<1x8x8192xf32>
      tpu.vector_store %arg3[%swap3A_124, %swap3A_125, %swap3A_126], %swap3A_129 {strides = array<i32>} : memref<18x8x8192xf32, #tpu.memory_space<vmem>>, vector<1x8x8192xf32>,
      %get3A_130 = arith.constant 9 : index
      %get3A_131 = arith.constant 0 : index
      %get3A_132 = vector.load %arg1[%get3A_130, %get3A_131] : memref<24x8192xf32, #tpu.memory_space<vmem>>, vector<1x8192xf32>
      %get3A_133 = vector.shape_cast %get3A_132 : vector<1x8192xf32> to vector<8192xf32>
      %broadcast_in_dim3A_134 = vector.shape_cast %get3A_133 : vector<8192xf32> to vector<1x8192xf32>
      %broadcast_in_dim3A_135 = vector.broadcast %broadcast_in_dim3A_134 : vector<1x8192xf32> to vector<8x8192xf32>
      %swap3A_136 = arith.constant 8 : index
      %swap3A_137 = arith.constant 0 : index
      %swap3A_138 = arith.constant 0 : index
      %swap3A_139 = vector.load %arg3[%swap3A_136, %swap3A_137, %swap3A_138] : memref<18x8x8192xf32, #tpu.memory_space<vmem>>, vector<1x8x8192xf32>
      %swap3A_140 = vector.shape_cast %swap3A_139 : vector<1x8x8192xf32> to vector<8x8192xf32>
      %swap3A_141 = vector.shape_cast %broadcast_in_dim3A_135 : vector<8x8192xf32> to vector<1x8x8192xf32>
      tpu.vector_store %arg3[%swap3A_136, %swap3A_137, %swap3A_138], %swap3A_141 {strides = array<i32>} : memref<18x8x8192xf32, #tpu.memory_space<vmem>>, vector<1x8x8192xf32>,
      %get3A_142 = arith.constant 10 : index
      %get3A_143 = arith.constant 0 : index
      %get3A_144 = vector.load %arg1[%get3A_142, %get3A_143] : memref<24x8192xf32, #tpu.memory_space<vmem>>, vector<1x8192xf32>
      %get3A_145 = vector.shape_cast %get3A_144 : vector<1x8192xf32> to vector<8192xf32>
      %broadcast_in_dim3A_146 = vector.shape_cast %get3A_145 : vector<8192xf32> to vector<1x8192xf32>
      %broadcast_in_dim3A_147 = vector.broadcast %broadcast_in_dim3A_146 : vector<1x8192xf32> to vector<8x8192xf32>
      %swap3A_148 = arith.constant 9 : index
      %swap3A_149 = arith.constant 0 : index
      %swap3A_150 = arith.constant 0 : index
      %swap3A_151 = vector.load %arg3[%swap3A_148, %swap3A_149, %swap3A_150] : memref<18x8x8192xf32, #tpu.memory_space<vmem>>, vector<1x8x8192xf32>
      %swap3A_152 = vector.shape_cast %swap3A_151 : vector<1x8x8192xf32> to vector<8x8192xf32>
      %swap3A_153 = vector.shape_cast %broadcast_in_dim3A_147 : vector<8x8192xf32> to vector<1x8x8192xf32>
      tpu.vector_store %arg3[%swap3A_148, %swap3A_149, %swap3A_150], %swap3A_153 {strides = array<i32>} : memref<18x8x8192xf32, #tpu.memory_space<vmem>>, vector<1x8x8192xf32>,
      %get3A_154 = arith.constant 11 : index
      %get3A_155 = arith.constant 0 : index
      %get3A_156 = vector.load %arg1[%get3A_154, %get3A_155] : memref<24x8192xf32, #tpu.memory_space<vmem>>, vector<1x8192xf32>
      %get3A_157 = vector.shape_cast %get3A_156 : vector<1x8192xf32> to vector<8192xf32>
      %broadcast_in_dim3A_158 = vector.shape_cast %get3A_157 : vector<8192xf32> to vector<1x8192xf32>
      %broadcast_in_dim3A_159 = vector.broadcast %broadcast_in_dim3A_158 : vector<1x8192xf32> to vector<8x8192xf32>
      %swap3A_160 = arith.constant 10 : index
      %swap3A_161 = arith.constant 0 : index
      %swap3A_162 = arith.constant 0 : index
      %swap3A_163 = vector.load %arg3[%swap3A_160, %swap3A_161, %swap3A_162] : memref<18x8x8192xf32, #tpu.memory_space<vmem>>, vector<1x8x8192xf32>
      %swap3A_164 = vector.shape_cast %swap3A_163 : vector<1x8x8192xf32> to vector<8x8192xf32>
      %swap3A_165 = vector.shape_cast %broadcast_in_dim3A_159 : vector<8x8192xf32> to vector<1x8x8192xf32>
      tpu.vector_store %arg3[%swap3A_160, %swap3A_161, %swap3A_162], %swap3A_165 {strides = array<i32>} : memref<18x8x8192xf32, #tpu.memory_space<vmem>>, vector<1x8x8192xf32>,
      %get3A_166 = arith.constant 12 : index
      %get3A_167 = arith.constant 0 : index
      %get3A_168 = vector.load %arg1[%get3A_166, %get3A_167] : memref<24x8192xf32, #tpu.memory_space<vmem>>, vector<1x8192xf32>
      %get3A_169 = vector.shape_cast %get3A_168 : vector<1x8192xf32> to vector<8192xf32>
      %broadcast_in_dim3A_170 = vector.shape_cast %get3A_169 : vector<8192xf32> to vector<1x8192xf32>
      %broadcast_in_dim3A_171 = vector.broadcast %broadcast_in_dim3A_170 : vector<1x8192xf32> to vector<8x8192xf32>
      %swap3A_172 = arith.constant 11 : index
      %swap3A_173 = arith.constant 0 : index
      %swap3A_174 = arith.constant 0 : index
      %swap3A_175 = vector.load %arg3[%swap3A_172, %swap3A_173, %swap3A_174] : memref<18x8x8192xf32, #tpu.memory_space<vmem>>, vector<1x8x8192xf32>
      %swap3A_176 = vector.shape_cast %swap3A_175 : vector<1x8x8192xf32> to vector<8x8192xf32>
      %swap3A_177 = vector.shape_cast %broadcast_in_dim3A_171 : vector<8x8192xf32> to vector<1x8x8192xf32>
      tpu.vector_store %arg3[%swap3A_172, %swap3A_173, %swap3A_174], %swap3A_177 {strides = array<i32>} : memref<18x8x8192xf32, #tpu.memory_space<vmem>>, vector<1x8x8192xf32>,
      %get3A_178 = arith.constant 13 : index
      %get3A_179 = arith.constant 0 : index
      %get3A_180 = vector.load %arg1[%get3A_178, %get3A_179] : memref<24x8192xf32, #tpu.memory_space<vmem>>, vector<1x8192xf32>
      %get3A_181 = vector.shape_cast %get3A_180 : vector<1x8192xf32> to vector<8192xf32>
      %broadcast_in_dim3A_182 = vector.shape_cast %get3A_181 : vector<8192xf32> to vector<1x8192xf32>
      %broadcast_in_dim3A_183 = vector.broadcast %broadcast_in_dim3A_182 : vector<1x8192xf32> to vector<8x8192xf32>
      %swap3A_184 = arith.constant 12 : index
      %swap3A_185 = arith.constant 0 : index
      %swap3A_186 = arith.constant 0 : index
      %swap3A_187 = vector.load %arg3[%swap3A_184, %swap3A_185, %swap3A_186] : memref<18x8x8192xf32, #tpu.memory_space<vmem>>, vector<1x8x8192xf32>
      %swap3A_188 = vector.shape_cast %swap3A_187 : vector<1x8x8192xf32> to vector<8x8192xf32>
      %swap3A_189 = vector.shape_cast %broadcast_in_dim3A_183 : vector<8x8192xf32> to vector<1x8x8192xf32>
      tpu.vector_store %arg3[%swap3A_184, %swap3A_185, %swap3A_186], %swap3A_189 {strides = array<i32>} : memref<18x8x8192xf32, #tpu.memory_space<vmem>>, vector<1x8x8192xf32>,
      %get3A_190 = arith.constant 14 : index
      %get3A_191 = arith.constant 0 : index
      %get3A_192 = vector.load %arg1[%get3A_190, %get3A_191] : memref<24x8192xf32, #tpu.memory_space<vmem>>, vector<1x8192xf32>
      %get3A_193 = vector.shape_cast %get3A_192 : vector<1x8192xf32> to vector<8192xf32>
      %broadcast_in_dim3A_194 = vector.shape_cast %get3A_193 : vector<8192xf32> to vector<1x8192xf32>
      %broadcast_in_dim3A_195 = vector.broadcast %broadcast_in_dim3A_194 : vector<1x8192xf32> to vector<8x8192xf32>
      %swap3A_196 = arith.constant 13 : index
      %swap3A_197 = arith.constant 0 : index
      %swap3A_198 = arith.constant 0 : index
      %swap3A_199 = vector.load %arg3[%swap3A_196, %swap3A_197, %swap3A_198] : memref<18x8x8192xf32, #tpu.memory_space<vmem>>, vector<1x8x8192xf32>
      %swap3A_200 = vector.shape_cast %swap3A_199 : vector<1x8x8192xf32> to vector<8x8192xf32>
      %swap3A_201 = vector.shape_cast %broadcast_in_dim3A_195 : vector<8x8192xf32> to vector<1x8x8192xf32>
      tpu.vector_store %arg3[%swap3A_196, %swap3A_197, %swap3A_198], %swap3A_201 {strides = array<i32>} : memref<18x8x8192xf32, #tpu.memory_space<vmem>>, vector<1x8x8192xf32>,
      %get3A_202 = arith.constant 15 : index
      %get3A_203 = arith.constant 0 : index
      %get3A_204 = vector.load %arg1[%get3A_202, %get3A_203] : memref<24x8192xf32, #tpu.memory_space<vmem>>, vector<1x8192xf32>
      %get3A_205 = vector.shape_cast %get3A_204 : vector<1x8192xf32> to vector<8192xf32>
      %broadcast_in_dim3A_206 = vector.shape_cast %get3A_205 : vector<8192xf32> to vector<1x8192xf32>
      %broadcast_in_dim3A_207 = vector.broadcast %broadcast_in_dim3A_206 : vector<1x8192xf32> to vector<8x8192xf32>
      %swap3A_208 = arith.constant 14 : index
      %swap3A_209 = arith.constant 0 : index
      %swap3A_210 = arith.constant 0 : index
      %swap3A_211 = vector.load %arg3[%swap3A_208, %swap3A_209, %swap3A_210] : memref<18x8x8192xf32, #tpu.memory_space<vmem>>, vector<1x8x8192xf32>
      %swap3A_212 = vector.shape_cast %swap3A_211 : vector<1x8x8192xf32> to vector<8x8192xf32>
      %swap3A_213 = vector.shape_cast %broadcast_in_dim3A_207 : vector<8x8192xf32> to vector<1x8x8192xf32>
      tpu.vector_store %arg3[%swap3A_208, %swap3A_209, %swap3A_210], %swap3A_213 {strides = array<i32>} : memref<18x8x8192xf32, #tpu.memory_space<vmem>>, vector<1x8x8192xf32>,
      %get3A_214 = arith.constant 16 : index
      %get3A_215 = arith.constant 0 : index
      %get3A_216 = vector.load %arg1[%get3A_214, %get3A_215] : memref<24x8192xf32, #tpu.memory_space<vmem>>, vector<1x8192xf32>
      %get3A_217 = vector.shape_cast %get3A_216 : vector<1x8192xf32> to vector<8192xf32>
      %broadcast_in_dim3A_218 = vector.shape_cast %get3A_217 : vector<8192xf32> to vector<1x8192xf32>
      %broadcast_in_dim3A_219 = vector.broadcast %broadcast_in_dim3A_218 : vector<1x8192xf32> to vector<8x8192xf32>
      %swap3A_220 = arith.constant 15 : index
      %swap3A_221 = arith.constant 0 : index
      %swap3A_222 = arith.constant 0 : index
      %swap3A_223 = vector.load %arg3[%swap3A_220, %swap3A_221, %swap3A_222] : memref<18x8x8192xf32, #tpu.memory_space<vmem>>, vector<1x8x8192xf32>
      %swap3A_224 = vector.shape_cast %swap3A_223 : vector<1x8x8192xf32> to vector<8x8192xf32>
      %swap3A_225 = vector.shape_cast %broadcast_in_dim3A_219 : vector<8x8192xf32> to vector<1x8x8192xf32>
      tpu.vector_store %arg3[%swap3A_220, %swap3A_221, %swap3A_222], %swap3A_225 {strides = array<i32>} : memref<18x8x8192xf32, #tpu.memory_space<vmem>>, vector<1x8x8192xf32>,
      %get3A_226 = arith.constant 17 : index
      %get3A_227 = arith.constant 0 : index
      %get3A_228 = vector.load %arg1[%get3A_226, %get3A_227] : memref<24x8192xf32, #tpu.memory_space<vmem>>, vector<1x8192xf32>
      %get3A_229 = vector.shape_cast %get3A_228 : vector<1x8192xf32> to vector<8192xf32>
      %broadcast_in_dim3A_230 = vector.shape_cast %get3A_229 : vector<8192xf32> to vector<1x8192xf32>
      %broadcast_in_dim3A_231 = vector.broadcast %broadcast_in_dim3A_230 : vector<1x8192xf32> to vector<8x8192xf32>
      %swap3A_232 = arith.constant 16 : index
      %swap3A_233 = arith.constant 0 : index
      %swap3A_234 = arith.constant 0 : index
      %swap3A_235 = vector.load %arg3[%swap3A_232, %swap3A_233, %swap3A_234] : memref<18x8x8192xf32, #tpu.memory_space<vmem>>, vector<1x8x8192xf32>
      %swap3A_236 = vector.shape_cast %swap3A_235 : vector<1x8x8192xf32> to vector<8x8192xf32>
      %swap3A_237 = vector.shape_cast %broadcast_in_dim3A_231 : vector<8x8192xf32> to vector<1x8x8192xf32>
      tpu.vector_store %arg3[%swap3A_232, %swap3A_233, %swap3A_234], %swap3A_237 {strides = array<i32>} : memref<18x8x8192xf32, #tpu.memory_space<vmem>>, vector<1x8x8192xf32>,
      %get3A_238 = arith.constant 18 : index
      %get3A_239 = arith.constant 0 : index
      %get3A_240 = vector.load %arg1[%get3A_238, %get3A_239] : memref<24x8192xf32, #tpu.memory_space<vmem>>, vector<1x8192xf32>
      %get3A_241 = vector.shape_cast %get3A_240 : vector<1x8192xf32> to vector<8192xf32>
      %broadcast_in_dim3A_242 = vector.shape_cast %get3A_241 : vector<8192xf32> to vector<1x8192xf32>
      %broadcast_in_dim3A_243 = vector.broadcast %broadcast_in_dim3A_242 : vector<1x8192xf32> to vector<8x8192xf32>
      %swap3A_244 = arith.constant 17 : index
      %swap3A_245 = arith.constant 0 : index
      %swap3A_246 = arith.constant 0 : index
      %swap3A_247 = vector.load %arg3[%swap3A_244, %swap3A_245, %swap3A_246] : memref<18x8x8192xf32, #tpu.memory_space<vmem>>, vector<1x8x8192xf32>
      %swap3A_248 = vector.shape_cast %swap3A_247 : vector<1x8x8192xf32> to vector<8x8192xf32>
      %swap3A_249 = vector.shape_cast %broadcast_in_dim3A_243 : vector<8x8192xf32> to vector<1x8x8192xf32>
      tpu.vector_store %arg3[%swap3A_244, %swap3A_245, %swap3A_246], %swap3A_249 {strides = array<i32>} : memref<18x8x8192xf32, #tpu.memory_space<vmem>>, vector<1x8x8192xf32>,
    } else {
    }
    %get3A = arith.constant 0 : index
    %get3A_2 = arith.constant 0 : index
    %get3A_3 = vector.load %arg2[%get3A, %get3A_2] : memref<256x8192xf32, #tpu.memory_space<vmem>>, vector<256x8192xf32>
    %get3A_4 = arith.constant 0 : index
    %get3A_5 = arith.constant 0 : index
    %get3A_6 = vector.load %arg1[%get3A_4, %get3A_5] : memref<24x8192xf32, #tpu.memory_space<vmem>>, vector<24x8192xf32>
    %dot_general3A = arith.constant dense<0.000000e+00> : vector<256x24xf32>
    %dot_general3A_7 = tpu.matmul %get3A_3, %get3A_6, %dot_general3A {dimension_numbers = #tpu.dot_dimension_numbers<[1], [1], [0], [0], [0, 0, 1, 0], [], []>, transpose_lhs_hint = false} : vector<256x8192xf32>, vector<24x8192xf32>, vector<256x24xf32> -> vector<256x24xf32>
    %swap3A = arith.constant 0 : index
    %swap3A_8 = arith.constant 0 : index
    %swap3A_9 = vector.load %arg4[%swap3A, %swap3A_8] : memref<256x24xf32, #tpu.memory_space<vmem>>, vector<256x24xf32>
    tpu.vector_store %arg4[%swap3A, %swap3A_8], %dot_general3A_7 {strides = array<i32>} : memref<256x24xf32, #tpu.memory_space<vmem>>, vector<256x24xf32>,
    %mul3A = arith.mulf %get3A_3, %get3A_3 : vector<256x8192xf32>
    %get3A_10 = arith.constant 0 : index
    %get3A_11 = arith.constant 0 : index
    %get3A_12 = vector.load %arg1[%get3A_10, %get3A_11] : memref<24x8192xf32, #tpu.memory_space<vmem>>, vector<24x8192xf32>
    %dot_general3A_13 = arith.constant dense<0.000000e+00> : vector<256x24xf32>
    %dot_general3A_14 = tpu.matmul %mul3A, %get3A_12, %dot_general3A_13 {dimension_numbers = #tpu.dot_dimension_numbers<[1], [1], [0], [0], [0, 0, 1, 0], [], []>, transpose_lhs_hint = false} : vector<256x8192xf32>, vector<24x8192xf32>, vector<256x24xf32> -> vector<256x24xf32>
    %swap3A_15 = arith.constant 0 : index
    %swap3A_16 = arith.constant 0 : index
    %swap3A_17 = vector.load %arg5[%swap3A_15, %swap3A_16] : memref<256x24xf32, #tpu.memory_space<vmem>>, vector<256x24xf32>
    tpu.vector_store %arg5[%swap3A_15, %swap3A_16], %dot_general3A_14 {strides = array<i32>} : memref<256x24xf32, #tpu.memory_space<vmem>>, vector<256x24xf32>,
    return
  }
  func.func @transform_0(%arg0: i32) -> (i32, i32) {
    %c0_i32 = arith.constant 0 : i32
    %c0_i32_0 = arith.constant 0 : i32
    %c0_i32_1 = arith.constant 0 : i32
    return %c0_i32, %c0_i32_0 : i32, i32
  }
  func.func @transform_1(%arg0: i32) -> (i32, i32) {
    %c0_i32 = arith.constant 0 : i32
    %c0_i32_0 = arith.constant 0 : i32
    return %arg0, %c0_i32 : i32, i32
  }
  func.func @transform_2(%arg0: i32) -> (i32, i32, i32) {
    %c0_i32 = arith.constant 0 : i32
    %c0_i32_0 = arith.constant 0 : i32
    %c0_i32_1 = arith.constant 0 : i32
    %c0_i32_2 = arith.constant 0 : i32
    return %c0_i32, %c0_i32_0, %c0_i32_1 : i32, i32, i32
  }
  func.func @transform_3(%arg0: i32) -> (i32, i32) {
    %c0_i32 = arith.constant 0 : i32
    %c0_i32_0 = arith.constant 0 : i32
    return %arg0, %c0_i32 : i32, i32
  }
  func.func @transform_4(%arg0: i32) -> (i32, i32) {
    %c0_i32 = arith.constant 0 : i32
    %c0_i32_0 = arith.constant 0 : i32
    return %arg0, %c0_i32 : i32, i32
  }
  func.func @transform_5(%arg0: i32) -> (i32, i32) {
    %c0_i32 = arith.constant 0 : i32
    %c0_i32_0 = arith.constant 0 : i32
    %c0_i32_1 = arith.constant 0 : i32
    return %c0_i32, %c0_i32_0 : i32, i32
  }
}

module attributes {stable_mosaic.version = 14 : i64} {
  func.func @_main_kernel(%arg0: i32, %arg1: i32, %arg2: memref<1x8x8192xf32, #tpu.memory_space<vmem>>, %arg3: memref<256x8192xf32, #tpu.memory_space<vmem>>, %arg4: memref<256x24xf32, #tpu.memory_space<vmem>>, %arg5: memref<256x24xf32, #tpu.memory_space<vmem>>, %arg6: memref<1x1xf32, #tpu.memory_space<smem>>, %arg7: memref<1x1xf32, #tpu.memory_space<smem>>, %arg8: memref<1x1xf32, #tpu.memory_space<smem>>) attributes {dimension_semantics = [#tpu.dimension_semantics<arbitrary>, #tpu.dimension_semantics<arbitrary>], iteration_bounds = array<i64: 1, 18>, scalar_prefetch = 0 : i64, scratch_operands = 1 : i64, tpu.core_type = #tpu.core_type<tc>, window_params = [{transform_indices = @transform_0, window_bounds = array<i64: 1, 8, 8192>}, {transform_indices = @transform_1, window_bounds = array<i64: 256, 8192>}, {transform_indices = @transform_2, window_bounds = array<i64: 256, 24>}, {transform_indices = @transform_3, window_bounds = array<i64: 256, 24>}, {transform_indices = @transform_4, window_bounds = array<i64: 1, 1>}, {transform_indices = @transform_5, window_bounds = array<i64: 1, 1>}]} {
    %add3A = arith.constant 1 : i32
    %add3A_0 = arith.addi %arg1, %add3A : i32
    %eq3A = arith.constant 0 : i32
    %eq3A_1 = arith.cmpi eq, %arg0, %eq3A : i32
    %eq3A_2 = arith.constant 0 : i32
    %eq3A_3 = arith.cmpi eq, %arg1, %eq3A_2 : i32
    %and3A = arith.andi %eq3A_1, %eq3A_3 : i1
    %convert_element_type3A = arith.extui %and3A : i1 to i32
    %cond3A = arith.constant 0 : i32
    %cond3A_4 = arith.cmpi ne, %convert_element_type3A, %cond3A : i32
    scf.if %cond3A_4 {
      %swap3A_549 = arith.constant 0.000000e+00 : f32
      %swap3A_550 = arith.constant 0 : index
      %swap3A_551 = arith.constant 0 : index
      %swap3A_552 = memref.load %arg8[%swap3A_550, %swap3A_551] : memref<1x1xf32, #tpu.memory_space<smem>>
      memref.store %swap3A_549, %arg8[%swap3A_550, %swap3A_551] : memref<1x1xf32, #tpu.memory_space<smem>>
    } else {
    }
    %get3A = arith.constant 0 : index
    %get3A_5 = arith.constant 0 : index
    %get3A_6 = arith.constant 0 : index
    %get3A_7 = vector.load %arg2[%get3A, %get3A_5, %get3A_6] : memref<1x8x8192xf32, #tpu.memory_space<vmem>>, vector<1x8x8192xf32>
    %get3A_8 = vector.shape_cast %get3A_7 : vector<1x8x8192xf32> to vector<8x8192xf32>
    %reduce_sum3A = vector.shape_cast %get3A_8 : vector<8x8192xf32> to vector<1x8x8192xf32>
    %reduce_sum3A_9 = arith.constant dense<0.000000e+00> : vector<1xf32>
    %reduce_sum3A_10 = vector.multi_reduction <add>, %reduce_sum3A, %reduce_sum3A_9 [1, 2] : vector<1x8x8192xf32> to vector<1xf32>
    %reduce_sum3A_11 = vector.shape_cast %reduce_sum3A_10 : vector<1xf32> to vector<1x1x1xf32>
    %reduce_sum3A_12 = vector.extract %reduce_sum3A_11[0, 0, 0] : f32 from vector<1x1x1xf32>
    %mul3A = arith.constant 1.250000e-01 : f32
    %mul3A_13 = arith.mulf %reduce_sum3A_12, %mul3A : f32
    %max3A = arith.constant 1.000000e+00 : f32
    %max3A_14 = arith.maximumf %mul3A_13, %max3A : f32
    %iota3A = tpu.iota {dimensions = array<i32: 1>} : vector<256x24xi32>
    %eq3A_15 = vector.broadcast %add3A_0 : i32 to vector<256x24xi32>
    %eq3A_16 = arith.cmpi eq, %iota3A, %eq3A_15 : vector<256x24xi32>
    %convert_element_type3A_17 = arith.extui %eq3A_16 : vector<256x24xi1> to vector<256x24xi32>
    %convert_element_type3A_18 = arith.sitofp %convert_element_type3A_17 : vector<256x24xi32> to vector<256x24xf32>
    %get3A_19 = arith.constant 0 : index
    %get3A_20 = arith.constant 0 : index
    %get3A_21 = vector.load %arg4[%get3A_19, %get3A_20] : memref<256x24xf32, #tpu.memory_space<vmem>>, vector<256x24xf32>
    %mul3A_22 = arith.mulf %get3A_21, %convert_element_type3A_18 : vector<256x24xf32>
    %reduce_sum3A_23 = arith.constant dense<0.000000e+00> : vector<256xf32>
    %reduce_sum3A_24 = vector.multi_reduction <add>, %mul3A_22, %reduce_sum3A_23 [1] : vector<256x24xf32> to vector<256xf32>
    %broadcast_in_dim3A = vector.shape_cast %reduce_sum3A_24 : vector<256xf32> to vector<256x1xf32>
    %get3A_25 = arith.constant 0 : index
    %get3A_26 = arith.constant 0 : index
    %get3A_27 = vector.load %arg5[%get3A_25, %get3A_26] : memref<256x24xf32, #tpu.memory_space<vmem>>, vector<256x24xf32>
    %mul3A_28 = arith.mulf %get3A_27, %convert_element_type3A_18 : vector<256x24xf32>
    %reduce_sum3A_29 = arith.constant dense<0.000000e+00> : vector<256xf32>
    %reduce_sum3A_30 = vector.multi_reduction <add>, %mul3A_28, %reduce_sum3A_29 [1] : vector<256x24xf32> to vector<256xf32>
    %broadcast_in_dim3A_31 = vector.shape_cast %reduce_sum3A_30 : vector<256xf32> to vector<256x1xf32>
    %div3A = vector.broadcast %max3A_14 : f32 to vector<256x1xf32>
    %div3A_32 = arith.divf %broadcast_in_dim3A, %div3A : vector<256x1xf32>
    %div3A_33 = vector.broadcast %max3A_14 : f32 to vector<256x1xf32>
    %div3A_34 = arith.divf %broadcast_in_dim3A_31, %div3A_33 : vector<256x1xf32>
    %mul3A_35 = arith.mulf %div3A_32, %div3A_32 : vector<256x1xf32>
    %sub3A = arith.subf %div3A_34, %mul3A_35 : vector<256x1xf32>
    %add3A_36 = arith.constant 9.99999996E-13 : f32
    %add3A_37 = vector.broadcast %add3A_36 : f32 to vector<256x1xf32>
    %add3A_38 = arith.addf %sub3A, %add3A_37 : vector<256x1xf32>
    %sqrt3A = math.sqrt %add3A_38 : vector<256x1xf32>
    %div3A_39 = arith.constant -1.250000e+01 : f32
    %div3A_40 = vector.broadcast %div3A_39 : f32 to vector<256x1xf32>
    %div3A_41 = arith.divf %div3A_40, %add3A_38 : vector<256x1xf32>
    %neg3A = arith.constant 0.000000e+00 : f32
    %neg3A_42 = vector.broadcast %neg3A : f32 to vector<256x1xf32>
    %neg3A_43 = arith.subf %neg3A_42, %div3A_41 : vector<256x1xf32>
    %mul3A_44 = arith.constant 1.44269502 : f32
    %mul3A_45 = vector.broadcast %mul3A_44 : f32 to vector<256x1xf32>
    %mul3A_46 = arith.mulf %neg3A_43, %mul3A_45 : vector<256x1xf32>
    %sqrt3A_47 = math.sqrt %mul3A_46 : vector<256x1xf32>
    %reshape3A = vector.shape_cast %div3A_32 : vector<256x1xf32> to vector<32x8x1xf32>
    %reshape3A_48 = vector.shape_cast %sqrt3A : vector<256x1xf32> to vector<32x8x1xf32>
    %reshape3A_49 = vector.shape_cast %sqrt3A_47 : vector<256x1xf32> to vector<32x8x1xf32>
    %log3A = math.log %get3A_8 : vector<8x8192xf32>
    %mul3A_50 = arith.constant 1.44269502 : f32
    %mul3A_51 = vector.broadcast %mul3A_50 : f32 to vector<8x8192xf32>
    %mul3A_52 = arith.mulf %log3A, %mul3A_51 : vector<8x8192xf32>
    %broadcast_in_dim3A_53 = vector.shape_cast %mul3A_52 : vector<8x8192xf32> to vector<1x8x8192xf32>
    %get3A_54 = arith.constant 0 : index
    %get3A_55 = arith.constant 0 : index
    %get3A_56 = vector.load %arg3[%get3A_54, %get3A_55] : memref<256x8192xf32, #tpu.memory_space<vmem>>, vector<256x8192xf32>
    %reshape3A_57 = vector.shape_cast %get3A_56 : vector<256x8192xf32> to vector<32x8x8192xf32>
    %mul3A_58 = vector.broadcast %reshape3A_49 : vector<32x8x1xf32> to vector<32x8x8192xf32>
    %mul3A_59 = arith.mulf %reshape3A_57, %mul3A_58 : vector<32x8x8192xf32>
    %mul3A_60 = arith.constant -3.000000e+00 : f32
    %mul3A_61 = vector.broadcast %mul3A_60 : f32 to vector<32x8x1xf32>
    %mul3A_62 = arith.mulf %mul3A_61, %reshape3A_48 : vector<32x8x1xf32>
    %add3A_63 = arith.addf %reshape3A, %mul3A_62 : vector<32x8x1xf32>
    %mul3A_64 = arith.mulf %add3A_63, %reshape3A_49 : vector<32x8x1xf32>
    %sub3A_65 = vector.broadcast %mul3A_64 : vector<32x8x1xf32> to vector<32x8x8192xf32>
    %sub3A_66 = arith.subf %sub3A_65, %mul3A_59 : vector<32x8x8192xf32>
    %mul3A_67 = arith.mulf %sub3A_66, %sub3A_66 : vector<32x8x8192xf32>
    %sub3A_68 = vector.broadcast %broadcast_in_dim3A_53 : vector<1x8x8192xf32> to vector<32x8x8192xf32>
    %sub3A_69 = arith.subf %sub3A_68, %mul3A_67 : vector<32x8x8192xf32>
    %exp23A = math.exp2 %sub3A_69 : vector<32x8x8192xf32>
    %reduce_sum3A_70 = arith.constant dense<0.000000e+00> : vector<32x8xf32>
    %reduce_sum3A_71 = vector.multi_reduction <add>, %exp23A, %reduce_sum3A_70 [2] : vector<32x8x8192xf32> to vector<32x8xf32>
    %broadcast_in_dim3A_72 = vector.shape_cast %reduce_sum3A_71 : vector<32x8xf32> to vector<32x8x1xf32>
    %mul3A_73 = arith.constant -2.500000e+00 : f32
    %mul3A_74 = vector.broadcast %mul3A_73 : f32 to vector<32x8x1xf32>
    %mul3A_75 = arith.mulf %mul3A_74, %reshape3A_48 : vector<32x8x1xf32>
    %add3A_76 = arith.addf %reshape3A, %mul3A_75 : vector<32x8x1xf32>
    %mul3A_77 = arith.mulf %add3A_76, %reshape3A_49 : vector<32x8x1xf32>
    %sub3A_78 = vector.broadcast %mul3A_77 : vector<32x8x1xf32> to vector<32x8x8192xf32>
    %sub3A_79 = arith.subf %sub3A_78, %mul3A_59 : vector<32x8x8192xf32>
    %mul3A_80 = arith.mulf %sub3A_79, %sub3A_79 : vector<32x8x8192xf32>
    %sub3A_81 = vector.broadcast %broadcast_in_dim3A_53 : vector<1x8x8192xf32> to vector<32x8x8192xf32>
    %sub3A_82 = arith.subf %sub3A_81, %mul3A_80 : vector<32x8x8192xf32>
    %exp23A_83 = math.exp2 %sub3A_82 : vector<32x8x8192xf32>
    %reduce_sum3A_84 = arith.constant dense<0.000000e+00> : vector<32x8xf32>
    %reduce_sum3A_85 = vector.multi_reduction <add>, %exp23A_83, %reduce_sum3A_84 [2] : vector<32x8x8192xf32> to vector<32x8xf32>
    %broadcast_in_dim3A_86 = vector.shape_cast %reduce_sum3A_85 : vector<32x8xf32> to vector<32x8x1xf32>
    %mul3A_87 = arith.constant -2.000000e+00 : f32
    %mul3A_88 = vector.broadcast %mul3A_87 : f32 to vector<32x8x1xf32>
    %mul3A_89 = arith.mulf %mul3A_88, %reshape3A_48 : vector<32x8x1xf32>
    %add3A_90 = arith.addf %reshape3A, %mul3A_89 : vector<32x8x1xf32>
    %mul3A_91 = arith.mulf %add3A_90, %reshape3A_49 : vector<32x8x1xf32>
    %sub3A_92 = vector.broadcast %mul3A_91 : vector<32x8x1xf32> to vector<32x8x8192xf32>
    %sub3A_93 = arith.subf %sub3A_92, %mul3A_59 : vector<32x8x8192xf32>
    %mul3A_94 = arith.mulf %sub3A_93, %sub3A_93 : vector<32x8x8192xf32>
    %sub3A_95 = vector.broadcast %broadcast_in_dim3A_53 : vector<1x8x8192xf32> to vector<32x8x8192xf32>
    %sub3A_96 = arith.subf %sub3A_95, %mul3A_94 : vector<32x8x8192xf32>
    %exp23A_97 = math.exp2 %sub3A_96 : vector<32x8x8192xf32>
    %reduce_sum3A_98 = arith.constant dense<0.000000e+00> : vector<32x8xf32>
    %reduce_sum3A_99 = vector.multi_reduction <add>, %exp23A_97, %reduce_sum3A_98 [2] : vector<32x8x8192xf32> to vector<32x8xf32>
    %broadcast_in_dim3A_100 = vector.shape_cast %reduce_sum3A_99 : vector<32x8xf32> to vector<32x8x1xf32>
    %mul3A_101 = arith.constant -1.500000e+00 : f32
    %mul3A_102 = vector.broadcast %mul3A_101 : f32 to vector<32x8x1xf32>
    %mul3A_103 = arith.mulf %mul3A_102, %reshape3A_48 : vector<32x8x1xf32>
    %add3A_104 = arith.addf %reshape3A, %mul3A_103 : vector<32x8x1xf32>
    %mul3A_105 = arith.mulf %add3A_104, %reshape3A_49 : vector<32x8x1xf32>
    %sub3A_106 = vector.broadcast %mul3A_105 : vector<32x8x1xf32> to vector<32x8x8192xf32>
    %sub3A_107 = arith.subf %sub3A_106, %mul3A_59 : vector<32x8x8192xf32>
    %mul3A_108 = arith.mulf %sub3A_107, %sub3A_107 : vector<32x8x8192xf32>
    %sub3A_109 = vector.broadcast %broadcast_in_dim3A_53 : vector<1x8x8192xf32> to vector<32x8x8192xf32>
    %sub3A_110 = arith.subf %sub3A_109, %mul3A_108 : vector<32x8x8192xf32>
    %exp23A_111 = math.exp2 %sub3A_110 : vector<32x8x8192xf32>
    %reduce_sum3A_112 = arith.constant dense<0.000000e+00> : vector<32x8xf32>
    %reduce_sum3A_113 = vector.multi_reduction <add>, %exp23A_111, %reduce_sum3A_112 [2] : vector<32x8x8192xf32> to vector<32x8xf32>
    %broadcast_in_dim3A_114 = vector.shape_cast %reduce_sum3A_113 : vector<32x8xf32> to vector<32x8x1xf32>
    %mul3A_115 = arith.constant -1.000000e+00 : f32
    %mul3A_116 = vector.broadcast %mul3A_115 : f32 to vector<32x8x1xf32>
    %mul3A_117 = arith.mulf %mul3A_116, %reshape3A_48 : vector<32x8x1xf32>
    %add3A_118 = arith.addf %reshape3A, %mul3A_117 : vector<32x8x1xf32>
    %mul3A_119 = arith.mulf %add3A_118, %reshape3A_49 : vector<32x8x1xf32>
    %sub3A_120 = vector.broadcast %mul3A_119 : vector<32x8x1xf32> to vector<32x8x8192xf32>
    %sub3A_121 = arith.subf %sub3A_120, %mul3A_59 : vector<32x8x8192xf32>
    %mul3A_122 = arith.mulf %sub3A_121, %sub3A_121 : vector<32x8x8192xf32>
    %sub3A_123 = vector.broadcast %broadcast_in_dim3A_53 : vector<1x8x8192xf32> to vector<32x8x8192xf32>
    %sub3A_124 = arith.subf %sub3A_123, %mul3A_122 : vector<32x8x8192xf32>
    %exp23A_125 = math.exp2 %sub3A_124 : vector<32x8x8192xf32>
    %reduce_sum3A_126 = arith.constant dense<0.000000e+00> : vector<32x8xf32>
    %reduce_sum3A_127 = vector.multi_reduction <add>, %exp23A_125, %reduce_sum3A_126 [2] : vector<32x8x8192xf32> to vector<32x8xf32>
    %broadcast_in_dim3A_128 = vector.shape_cast %reduce_sum3A_127 : vector<32x8xf32> to vector<32x8x1xf32>
    %mul3A_129 = arith.constant -5.000000e-01 : f32
    %mul3A_130 = vector.broadcast %mul3A_129 : f32 to vector<32x8x1xf32>
    %mul3A_131 = arith.mulf %mul3A_130, %reshape3A_48 : vector<32x8x1xf32>
    %add3A_132 = arith.addf %reshape3A, %mul3A_131 : vector<32x8x1xf32>
    %mul3A_133 = arith.mulf %add3A_132, %reshape3A_49 : vector<32x8x1xf32>
    %sub3A_134 = vector.broadcast %mul3A_133 : vector<32x8x1xf32> to vector<32x8x8192xf32>
    %sub3A_135 = arith.subf %sub3A_134, %mul3A_59 : vector<32x8x8192xf32>
    %mul3A_136 = arith.mulf %sub3A_135, %sub3A_135 : vector<32x8x8192xf32>
    %sub3A_137 = vector.broadcast %broadcast_in_dim3A_53 : vector<1x8x8192xf32> to vector<32x8x8192xf32>
    %sub3A_138 = arith.subf %sub3A_137, %mul3A_136 : vector<32x8x8192xf32>
    %exp23A_139 = math.exp2 %sub3A_138 : vector<32x8x8192xf32>
    %reduce_sum3A_140 = arith.constant dense<0.000000e+00> : vector<32x8xf32>
    %reduce_sum3A_141 = vector.multi_reduction <add>, %exp23A_139, %reduce_sum3A_140 [2] : vector<32x8x8192xf32> to vector<32x8xf32>
    %broadcast_in_dim3A_142 = vector.shape_cast %reduce_sum3A_141 : vector<32x8xf32> to vector<32x8x1xf32>
    %mul3A_143 = arith.constant 0.000000e+00 : f32
    %mul3A_144 = vector.broadcast %mul3A_143 : f32 to vector<32x8x1xf32>
    %mul3A_145 = arith.mulf %mul3A_144, %reshape3A_48 : vector<32x8x1xf32>
    %add3A_146 = arith.addf %reshape3A, %mul3A_145 : vector<32x8x1xf32>
    %mul3A_147 = arith.mulf %add3A_146, %reshape3A_49 : vector<32x8x1xf32>
    %sub3A_148 = vector.broadcast %mul3A_147 : vector<32x8x1xf32> to vector<32x8x8192xf32>
    %sub3A_149 = arith.subf %sub3A_148, %mul3A_59 : vector<32x8x8192xf32>
    %mul3A_150 = arith.mulf %sub3A_149, %sub3A_149 : vector<32x8x8192xf32>
    %sub3A_151 = vector.broadcast %broadcast_in_dim3A_53 : vector<1x8x8192xf32> to vector<32x8x8192xf32>
    %sub3A_152 = arith.subf %sub3A_151, %mul3A_150 : vector<32x8x8192xf32>
    %exp23A_153 = math.exp2 %sub3A_152 : vector<32x8x8192xf32>
    %reduce_sum3A_154 = arith.constant dense<0.000000e+00> : vector<32x8xf32>
    %reduce_sum3A_155 = vector.multi_reduction <add>, %exp23A_153, %reduce_sum3A_154 [2] : vector<32x8x8192xf32> to vector<32x8xf32>
    %broadcast_in_dim3A_156 = vector.shape_cast %reduce_sum3A_155 : vector<32x8xf32> to vector<32x8x1xf32>
    %mul3A_157 = arith.constant 5.000000e-01 : f32
    %mul3A_158 = vector.broadcast %mul3A_157 : f32 to vector<32x8x1xf32>
    %mul3A_159 = arith.mulf %mul3A_158, %reshape3A_48 : vector<32x8x1xf32>
    %add3A_160 = arith.addf %reshape3A, %mul3A_159 : vector<32x8x1xf32>
    %mul3A_161 = arith.mulf %add3A_160, %reshape3A_49 : vector<32x8x1xf32>
    %sub3A_162 = vector.broadcast %mul3A_161 : vector<32x8x1xf32> to vector<32x8x8192xf32>
    %sub3A_163 = arith.subf %sub3A_162, %mul3A_59 : vector<32x8x8192xf32>
    %mul3A_164 = arith.mulf %sub3A_163, %sub3A_163 : vector<32x8x8192xf32>
    %sub3A_165 = vector.broadcast %broadcast_in_dim3A_53 : vector<1x8x8192xf32> to vector<32x8x8192xf32>
    %sub3A_166 = arith.subf %sub3A_165, %mul3A_164 : vector<32x8x8192xf32>
    %exp23A_167 = math.exp2 %sub3A_166 : vector<32x8x8192xf32>
    %reduce_sum3A_168 = arith.constant dense<0.000000e+00> : vector<32x8xf32>
    %reduce_sum3A_169 = vector.multi_reduction <add>, %exp23A_167, %reduce_sum3A_168 [2] : vector<32x8x8192xf32> to vector<32x8xf32>
    %broadcast_in_dim3A_170 = vector.shape_cast %reduce_sum3A_169 : vector<32x8xf32> to vector<32x8x1xf32>
    %mul3A_171 = arith.constant 1.000000e+00 : f32
    %mul3A_172 = vector.broadcast %mul3A_171 : f32 to vector<32x8x1xf32>
    %mul3A_173 = arith.mulf %mul3A_172, %reshape3A_48 : vector<32x8x1xf32>
    %add3A_174 = arith.addf %reshape3A, %mul3A_173 : vector<32x8x1xf32>
    %mul3A_175 = arith.mulf %add3A_174, %reshape3A_49 : vector<32x8x1xf32>
    %sub3A_176 = vector.broadcast %mul3A_175 : vector<32x8x1xf32> to vector<32x8x8192xf32>
    %sub3A_177 = arith.subf %sub3A_176, %mul3A_59 : vector<32x8x8192xf32>
    %mul3A_178 = arith.mulf %sub3A_177, %sub3A_177 : vector<32x8x8192xf32>
    %sub3A_179 = vector.broadcast %broadcast_in_dim3A_53 : vector<1x8x8192xf32> to vector<32x8x8192xf32>
    %sub3A_180 = arith.subf %sub3A_179, %mul3A_178 : vector<32x8x8192xf32>
    %exp23A_181 = math.exp2 %sub3A_180 : vector<32x8x8192xf32>
    %reduce_sum3A_182 = arith.constant dense<0.000000e+00> : vector<32x8xf32>
    %reduce_sum3A_183 = vector.multi_reduction <add>, %exp23A_181, %reduce_sum3A_182 [2] : vector<32x8x8192xf32> to vector<32x8xf32>
    %broadcast_in_dim3A_184 = vector.shape_cast %reduce_sum3A_183 : vector<32x8xf32> to vector<32x8x1xf32>
    %mul3A_185 = arith.constant 1.500000e+00 : f32
    %mul3A_186 = vector.broadcast %mul3A_185 : f32 to vector<32x8x1xf32>
    %mul3A_187 = arith.mulf %mul3A_186, %reshape3A_48 : vector<32x8x1xf32>
    %add3A_188 = arith.addf %reshape3A, %mul3A_187 : vector<32x8x1xf32>
    %mul3A_189 = arith.mulf %add3A_188, %reshape3A_49 : vector<32x8x1xf32>
    %sub3A_190 = vector.broadcast %mul3A_189 : vector<32x8x1xf32> to vector<32x8x8192xf32>
    %sub3A_191 = arith.subf %sub3A_190, %mul3A_59 : vector<32x8x8192xf32>
    %mul3A_192 = arith.mulf %sub3A_191, %sub3A_191 : vector<32x8x8192xf32>
    %sub3A_193 = vector.broadcast %broadcast_in_dim3A_53 : vector<1x8x8192xf32> to vector<32x8x8192xf32>
    %sub3A_194 = arith.subf %sub3A_193, %mul3A_192 : vector<32x8x8192xf32>
    %exp23A_195 = math.exp2 %sub3A_194 : vector<32x8x8192xf32>
    %reduce_sum3A_196 = arith.constant dense<0.000000e+00> : vector<32x8xf32>
    %reduce_sum3A_197 = vector.multi_reduction <add>, %exp23A_195, %reduce_sum3A_196 [2] : vector<32x8x8192xf32> to vector<32x8xf32>
    %broadcast_in_dim3A_198 = vector.shape_cast %reduce_sum3A_197 : vector<32x8xf32> to vector<32x8x1xf32>
    %mul3A_199 = arith.constant 2.000000e+00 : f32
    %mul3A_200 = vector.broadcast %mul3A_199 : f32 to vector<32x8x1xf32>
    %mul3A_201 = arith.mulf %mul3A_200, %reshape3A_48 : vector<32x8x1xf32>
    %add3A_202 = arith.addf %reshape3A, %mul3A_201 : vector<32x8x1xf32>
    %mul3A_203 = arith.mulf %add3A_202, %reshape3A_49 : vector<32x8x1xf32>
    %sub3A_204 = vector.broadcast %mul3A_203 : vector<32x8x1xf32> to vector<32x8x8192xf32>
    %sub3A_205 = arith.subf %sub3A_204, %mul3A_59 : vector<32x8x8192xf32>
    %mul3A_206 = arith.mulf %sub3A_205, %sub3A_205 : vector<32x8x8192xf32>
    %sub3A_207 = vector.broadcast %broadcast_in_dim3A_53 : vector<1x8x8192xf32> to vector<32x8x8192xf32>
    %sub3A_208 = arith.subf %sub3A_207, %mul3A_206 : vector<32x8x8192xf32>
    %exp23A_209 = math.exp2 %sub3A_208 : vector<32x8x8192xf32>
    %reduce_sum3A_210 = arith.constant dense<0.000000e+00> : vector<32x8xf32>
    %reduce_sum3A_211 = vector.multi_reduction <add>, %exp23A_209, %reduce_sum3A_210 [2] : vector<32x8x8192xf32> to vector<32x8xf32>
    %broadcast_in_dim3A_212 = vector.shape_cast %reduce_sum3A_211 : vector<32x8xf32> to vector<32x8x1xf32>
    %mul3A_213 = arith.constant 2.500000e+00 : f32
    %mul3A_214 = vector.broadcast %mul3A_213 : f32 to vector<32x8x1xf32>
    %mul3A_215 = arith.mulf %mul3A_214, %reshape3A_48 : vector<32x8x1xf32>
    %add3A_216 = arith.addf %reshape3A, %mul3A_215 : vector<32x8x1xf32>
    %mul3A_217 = arith.mulf %add3A_216, %reshape3A_49 : vector<32x8x1xf32>
    %sub3A_218 = vector.broadcast %mul3A_217 : vector<32x8x1xf32> to vector<32x8x8192xf32>
    %sub3A_219 = arith.subf %sub3A_218, %mul3A_59 : vector<32x8x8192xf32>
    %mul3A_220 = arith.mulf %sub3A_219, %sub3A_219 : vector<32x8x8192xf32>
    %sub3A_221 = vector.broadcast %broadcast_in_dim3A_53 : vector<1x8x8192xf32> to vector<32x8x8192xf32>
    %sub3A_222 = arith.subf %sub3A_221, %mul3A_220 : vector<32x8x8192xf32>
    %exp23A_223 = math.exp2 %sub3A_222 : vector<32x8x8192xf32>
    %reduce_sum3A_224 = arith.constant dense<0.000000e+00> : vector<32x8xf32>
    %reduce_sum3A_225 = vector.multi_reduction <add>, %exp23A_223, %reduce_sum3A_224 [2] : vector<32x8x8192xf32> to vector<32x8xf32>
    %broadcast_in_dim3A_226 = vector.shape_cast %reduce_sum3A_225 : vector<32x8xf32> to vector<32x8x1xf32>
    %mul3A_227 = arith.constant 3.000000e+00 : f32
    %mul3A_228 = vector.broadcast %mul3A_227 : f32 to vector<32x8x1xf32>
    %mul3A_229 = arith.mulf %mul3A_228, %reshape3A_48 : vector<32x8x1xf32>
    %add3A_230 = arith.addf %reshape3A, %mul3A_229 : vector<32x8x1xf32>
    %mul3A_231 = arith.mulf %add3A_230, %reshape3A_49 : vector<32x8x1xf32>
    %sub3A_232 = vector.broadcast %mul3A_231 : vector<32x8x1xf32> to vector<32x8x8192xf32>
    %sub3A_233 = arith.subf %sub3A_232, %mul3A_59 : vector<32x8x8192xf32>
    %mul3A_234 = arith.mulf %sub3A_233, %sub3A_233 : vector<32x8x8192xf32>
    %sub3A_235 = vector.broadcast %broadcast_in_dim3A_53 : vector<1x8x8192xf32> to vector<32x8x8192xf32>
    %sub3A_236 = arith.subf %sub3A_235, %mul3A_234 : vector<32x8x8192xf32>
    %exp23A_237 = math.exp2 %sub3A_236 : vector<32x8x8192xf32>
    %reduce_sum3A_238 = arith.constant dense<0.000000e+00> : vector<32x8xf32>
    %reduce_sum3A_239 = vector.multi_reduction <add>, %exp23A_237, %reduce_sum3A_238 [2] : vector<32x8x8192xf32> to vector<32x8xf32>
    %broadcast_in_dim3A_240 = vector.shape_cast %reduce_sum3A_239 : vector<32x8xf32> to vector<32x8x1xf32>
    %concatenate3A = tpu.concatenate %broadcast_in_dim3A_72, %broadcast_in_dim3A_86, %broadcast_in_dim3A_100, %broadcast_in_dim3A_114, %broadcast_in_dim3A_128, %broadcast_in_dim3A_142, %broadcast_in_dim3A_156, %broadcast_in_dim3A_170, %broadcast_in_dim3A_184, %broadcast_in_dim3A_198, %broadcast_in_dim3A_212, %broadcast_in_dim3A_226, %broadcast_in_dim3A_240 in 2 : vector<32x8x1xf32>, vector<32x8x1xf32>, vector<32x8x1xf32>, vector<32x8x1xf32>, vector<32x8x1xf32>, vector<32x8x1xf32>, vector<32x8x1xf32>, vector<32x8x1xf32>, vector<32x8x1xf32>, vector<32x8x1xf32>, vector<32x8x1xf32>, vector<32x8x1xf32>, vector<32x8x1xf32> -> vector<32x8x13xf32>
    %reduce_sum3A_241 = arith.constant dense<0.000000e+00> : vector<32x8xf32>
    %reduce_sum3A_242 = vector.multi_reduction <add>, %concatenate3A, %reduce_sum3A_241 [2] : vector<32x8x13xf32> to vector<32x8xf32>
    %broadcast_in_dim3A_243 = vector.shape_cast %reduce_sum3A_242 : vector<32x8xf32> to vector<32x8x1xf32>
    %div3A_244 = arith.constant 1.000000e+00 : f32
    %div3A_245 = vector.broadcast %div3A_244 : f32 to vector<32x8x1xf32>
    %div3A_246 = arith.divf %div3A_245, %broadcast_in_dim3A_243 : vector<32x8x1xf32>
    %mul3A_247 = arith.mulf %broadcast_in_dim3A_72, %div3A_246 : vector<32x8x1xf32>
    %sub3A_248 = arith.constant 0.00221819594 : f32
    %sub3A_249 = vector.broadcast %sub3A_248 : f32 to vector<32x8x1xf32>
    %sub3A_250 = arith.subf %mul3A_247, %sub3A_249 : vector<32x8x1xf32>
    %abs3A = math.absf %sub3A_250 : vector<32x8x1xf32>
    %lt3A = arith.constant 1.000000e+00 : f32
    %lt3A_251 = vector.broadcast %lt3A : f32 to vector<32x8x1xf32>
    %lt3A_252 = arith.cmpf olt, %abs3A, %lt3A_251 : vector<32x8x1xf32>
    %mul3A_253 = arith.constant 5.000000e-01 : f32
    %mul3A_254 = vector.broadcast %mul3A_253 : f32 to vector<32x8x1xf32>
    %mul3A_255 = arith.mulf %mul3A_254, %sub3A_250 : vector<32x8x1xf32>
    %mul3A_256 = arith.mulf %mul3A_255, %sub3A_250 : vector<32x8x1xf32>
    %sub3A_257 = arith.constant 5.000000e-01 : f32
    %sub3A_258 = vector.broadcast %sub3A_257 : f32 to vector<32x8x1xf32>
    %sub3A_259 = arith.subf %abs3A, %sub3A_258 : vector<32x8x1xf32>
    %select_n3A = arith.select %lt3A_252, %mul3A_256, %sub3A_259 : vector<32x8x1xi1>, vector<32x8x1xf32>
    %reduce_sum3A_260 = vector.shape_cast %select_n3A : vector<32x8x1xf32> to vector<1x32x8x1xf32>
    %reduce_sum3A_261 = arith.constant dense<0.000000e+00> : vector<1xf32>
    %reduce_sum3A_262 = vector.multi_reduction <add>, %reduce_sum3A_260, %reduce_sum3A_261 [1, 2, 3] : vector<1x32x8x1xf32> to vector<1xf32>
    %reduce_sum3A_263 = vector.shape_cast %reduce_sum3A_262 : vector<1xf32> to vector<1x1x1x1xf32>
    %reduce_sum3A_264 = vector.extract %reduce_sum3A_263[0, 0, 0, 0] : f32 from vector<1x1x1x1xf32>
    %add3A_265 = arith.constant 0.000000e+00 : f32
    %add3A_266 = arith.addf %add3A_265, %reduce_sum3A_264 : f32
    %mul3A_267 = arith.mulf %broadcast_in_dim3A_86, %div3A_246 : vector<32x8x1xf32>
    %sub3A_268 = arith.constant 0.00877313502 : f32
    %sub3A_269 = vector.broadcast %sub3A_268 : f32 to vector<32x8x1xf32>
    %sub3A_270 = arith.subf %mul3A_267, %sub3A_269 : vector<32x8x1xf32>
    %abs3A_271 = math.absf %sub3A_270 : vector<32x8x1xf32>
    %lt3A_272 = arith.constant 1.000000e+00 : f32
    %lt3A_273 = vector.broadcast %lt3A_272 : f32 to vector<32x8x1xf32>
    %lt3A_274 = arith.cmpf olt, %abs3A_271, %lt3A_273 : vector<32x8x1xf32>
    %mul3A_275 = arith.constant 5.000000e-01 : f32
    %mul3A_276 = vector.broadcast %mul3A_275 : f32 to vector<32x8x1xf32>
    %mul3A_277 = arith.mulf %mul3A_276, %sub3A_270 : vector<32x8x1xf32>
    %mul3A_278 = arith.mulf %mul3A_277, %sub3A_270 : vector<32x8x1xf32>
    %sub3A_279 = arith.constant 5.000000e-01 : f32
    %sub3A_280 = vector.broadcast %sub3A_279 : f32 to vector<32x8x1xf32>
    %sub3A_281 = arith.subf %abs3A_271, %sub3A_280 : vector<32x8x1xf32>
    %select_n3A_282 = arith.select %lt3A_274, %mul3A_278, %sub3A_281 : vector<32x8x1xi1>, vector<32x8x1xf32>
    %reduce_sum3A_283 = vector.shape_cast %select_n3A_282 : vector<32x8x1xf32> to vector<1x32x8x1xf32>
    %reduce_sum3A_284 = arith.constant dense<0.000000e+00> : vector<1xf32>
    %reduce_sum3A_285 = vector.multi_reduction <add>, %reduce_sum3A_283, %reduce_sum3A_284 [1, 2, 3] : vector<1x32x8x1xf32> to vector<1xf32>
    %reduce_sum3A_286 = vector.shape_cast %reduce_sum3A_285 : vector<1xf32> to vector<1x1x1x1xf32>
    %reduce_sum3A_287 = vector.extract %reduce_sum3A_286[0, 0, 0, 0] : f32 from vector<1x1x1x1xf32>
    %add3A_288 = arith.addf %add3A_266, %reduce_sum3A_287 : f32
    %mul3A_289 = arith.mulf %broadcast_in_dim3A_100, %div3A_246 : vector<32x8x1xf32>
    %sub3A_290 = arith.constant 0.0270231571 : f32
    %sub3A_291 = vector.broadcast %sub3A_290 : f32 to vector<32x8x1xf32>
    %sub3A_292 = arith.subf %mul3A_289, %sub3A_291 : vector<32x8x1xf32>
    %abs3A_293 = math.absf %sub3A_292 : vector<32x8x1xf32>
    %lt3A_294 = arith.constant 1.000000e+00 : f32
    %lt3A_295 = vector.broadcast %lt3A_294 : f32 to vector<32x8x1xf32>
    %lt3A_296 = arith.cmpf olt, %abs3A_293, %lt3A_295 : vector<32x8x1xf32>
    %mul3A_297 = arith.constant 5.000000e-01 : f32
    %mul3A_298 = vector.broadcast %mul3A_297 : f32 to vector<32x8x1xf32>
    %mul3A_299 = arith.mulf %mul3A_298, %sub3A_292 : vector<32x8x1xf32>
    %mul3A_300 = arith.mulf %mul3A_299, %sub3A_292 : vector<32x8x1xf32>
    %sub3A_301 = arith.constant 5.000000e-01 : f32
    %sub3A_302 = vector.broadcast %sub3A_301 : f32 to vector<32x8x1xf32>
    %sub3A_303 = arith.subf %abs3A_293, %sub3A_302 : vector<32x8x1xf32>
    %select_n3A_304 = arith.select %lt3A_296, %mul3A_300, %sub3A_303 : vector<32x8x1xi1>, vector<32x8x1xf32>
    %reduce_sum3A_305 = vector.shape_cast %select_n3A_304 : vector<32x8x1xf32> to vector<1x32x8x1xf32>
    %reduce_sum3A_306 = arith.constant dense<0.000000e+00> : vector<1xf32>
    %reduce_sum3A_307 = vector.multi_reduction <add>, %reduce_sum3A_305, %reduce_sum3A_306 [1, 2, 3] : vector<1x32x8x1xf32> to vector<1xf32>
    %reduce_sum3A_308 = vector.shape_cast %reduce_sum3A_307 : vector<1xf32> to vector<1x1x1x1xf32>
    %reduce_sum3A_309 = vector.extract %reduce_sum3A_308[0, 0, 0, 0] : f32 from vector<1x1x1x1xf32>
    %add3A_310 = arith.addf %add3A_288, %reduce_sum3A_309 : f32
    %mul3A_311 = arith.mulf %broadcast_in_dim3A_114, %div3A_246 : vector<32x8x1xf32>
    %sub3A_312 = arith.constant 0.0648251846 : f32
    %sub3A_313 = vector.broadcast %sub3A_312 : f32 to vector<32x8x1xf32>
    %sub3A_314 = arith.subf %mul3A_311, %sub3A_313 : vector<32x8x1xf32>
    %abs3A_315 = math.absf %sub3A_314 : vector<32x8x1xf32>
    %lt3A_316 = arith.constant 1.000000e+00 : f32
    %lt3A_317 = vector.broadcast %lt3A_316 : f32 to vector<32x8x1xf32>
    %lt3A_318 = arith.cmpf olt, %abs3A_315, %lt3A_317 : vector<32x8x1xf32>
    %mul3A_319 = arith.constant 5.000000e-01 : f32
    %mul3A_320 = vector.broadcast %mul3A_319 : f32 to vector<32x8x1xf32>
    %mul3A_321 = arith.mulf %mul3A_320, %sub3A_314 : vector<32x8x1xf32>
    %mul3A_322 = arith.mulf %mul3A_321, %sub3A_314 : vector<32x8x1xf32>
    %sub3A_323 = arith.constant 5.000000e-01 : f32
    %sub3A_324 = vector.broadcast %sub3A_323 : f32 to vector<32x8x1xf32>
    %sub3A_325 = arith.subf %abs3A_315, %sub3A_324 : vector<32x8x1xf32>
    %select_n3A_326 = arith.select %lt3A_318, %mul3A_322, %sub3A_325 : vector<32x8x1xi1>, vector<32x8x1xf32>
    %reduce_sum3A_327 = vector.shape_cast %select_n3A_326 : vector<32x8x1xf32> to vector<1x32x8x1xf32>
    %reduce_sum3A_328 = arith.constant dense<0.000000e+00> : vector<1xf32>
    %reduce_sum3A_329 = vector.multi_reduction <add>, %reduce_sum3A_327, %reduce_sum3A_328 [1, 2, 3] : vector<1x32x8x1xf32> to vector<1xf32>
    %reduce_sum3A_330 = vector.shape_cast %reduce_sum3A_329 : vector<1xf32> to vector<1x1x1x1xf32>
    %reduce_sum3A_331 = vector.extract %reduce_sum3A_330[0, 0, 0, 0] : f32 from vector<1x1x1x1xf32>
    %add3A_332 = arith.addf %add3A_310, %reduce_sum3A_331 : f32
    %mul3A_333 = arith.mulf %broadcast_in_dim3A_128, %div3A_246 : vector<32x8x1xf32>
    %sub3A_334 = arith.constant 0.121109389 : f32
    %sub3A_335 = vector.broadcast %sub3A_334 : f32 to vector<32x8x1xf32>
    %sub3A_336 = arith.subf %mul3A_333, %sub3A_335 : vector<32x8x1xf32>
    %abs3A_337 = math.absf %sub3A_336 : vector<32x8x1xf32>
    %lt3A_338 = arith.constant 1.000000e+00 : f32
    %lt3A_339 = vector.broadcast %lt3A_338 : f32 to vector<32x8x1xf32>
    %lt3A_340 = arith.cmpf olt, %abs3A_337, %lt3A_339 : vector<32x8x1xf32>
    %mul3A_341 = arith.constant 5.000000e-01 : f32
    %mul3A_342 = vector.broadcast %mul3A_341 : f32 to vector<32x8x1xf32>
    %mul3A_343 = arith.mulf %mul3A_342, %sub3A_336 : vector<32x8x1xf32>
    %mul3A_344 = arith.mulf %mul3A_343, %sub3A_336 : vector<32x8x1xf32>
    %sub3A_345 = arith.constant 5.000000e-01 : f32
    %sub3A_346 = vector.broadcast %sub3A_345 : f32 to vector<32x8x1xf32>
    %sub3A_347 = arith.subf %abs3A_337, %sub3A_346 : vector<32x8x1xf32>
    %select_n3A_348 = arith.select %lt3A_340, %mul3A_344, %sub3A_347 : vector<32x8x1xi1>, vector<32x8x1xf32>
    %reduce_sum3A_349 = vector.shape_cast %select_n3A_348 : vector<32x8x1xf32> to vector<1x32x8x1xf32>
    %reduce_sum3A_350 = arith.constant dense<0.000000e+00> : vector<1xf32>
    %reduce_sum3A_351 = vector.multi_reduction <add>, %reduce_sum3A_349, %reduce_sum3A_350 [1, 2, 3] : vector<1x32x8x1xf32> to vector<1xf32>
    %reduce_sum3A_352 = vector.shape_cast %reduce_sum3A_351 : vector<1xf32> to vector<1x1x1x1xf32>
    %reduce_sum3A_353 = vector.extract %reduce_sum3A_352[0, 0, 0, 0] : f32 from vector<1x1x1x1xf32>
    %add3A_354 = arith.addf %add3A_332, %reduce_sum3A_353 : f32
    %mul3A_355 = arith.mulf %broadcast_in_dim3A_142, %div3A_246 : vector<32x8x1xf32>
    %sub3A_356 = arith.constant 0.176213115 : f32
    %sub3A_357 = vector.broadcast %sub3A_356 : f32 to vector<32x8x1xf32>
    %sub3A_358 = arith.subf %mul3A_355, %sub3A_357 : vector<32x8x1xf32>
    %abs3A_359 = math.absf %sub3A_358 : vector<32x8x1xf32>
    %lt3A_360 = arith.constant 1.000000e+00 : f32
    %lt3A_361 = vector.broadcast %lt3A_360 : f32 to vector<32x8x1xf32>
    %lt3A_362 = arith.cmpf olt, %abs3A_359, %lt3A_361 : vector<32x8x1xf32>
    %mul3A_363 = arith.constant 5.000000e-01 : f32
    %mul3A_364 = vector.broadcast %mul3A_363 : f32 to vector<32x8x1xf32>
    %mul3A_365 = arith.mulf %mul3A_364, %sub3A_358 : vector<32x8x1xf32>
    %mul3A_366 = arith.mulf %mul3A_365, %sub3A_358 : vector<32x8x1xf32>
    %sub3A_367 = arith.constant 5.000000e-01 : f32
    %sub3A_368 = vector.broadcast %sub3A_367 : f32 to vector<32x8x1xf32>
    %sub3A_369 = arith.subf %abs3A_359, %sub3A_368 : vector<32x8x1xf32>
    %select_n3A_370 = arith.select %lt3A_362, %mul3A_366, %sub3A_369 : vector<32x8x1xi1>, vector<32x8x1xf32>
    %reduce_sum3A_371 = vector.shape_cast %select_n3A_370 : vector<32x8x1xf32> to vector<1x32x8x1xf32>
    %reduce_sum3A_372 = arith.constant dense<0.000000e+00> : vector<1xf32>
    %reduce_sum3A_373 = vector.multi_reduction <add>, %reduce_sum3A_371, %reduce_sum3A_372 [1, 2, 3] : vector<1x32x8x1xf32> to vector<1xf32>
    %reduce_sum3A_374 = vector.shape_cast %reduce_sum3A_373 : vector<1xf32> to vector<1x1x1x1xf32>
    %reduce_sum3A_375 = vector.extract %reduce_sum3A_374[0, 0, 0, 0] : f32 from vector<1x1x1x1xf32>
    %add3A_376 = arith.addf %add3A_354, %reduce_sum3A_375 : f32
    %mul3A_377 = arith.mulf %broadcast_in_dim3A_156, %div3A_246 : vector<32x8x1xf32>
    %sub3A_378 = arith.constant 0.199675635 : f32
    %sub3A_379 = vector.broadcast %sub3A_378 : f32 to vector<32x8x1xf32>
    %sub3A_380 = arith.subf %mul3A_377, %sub3A_379 : vector<32x8x1xf32>
    %abs3A_381 = math.absf %sub3A_380 : vector<32x8x1xf32>
    %lt3A_382 = arith.constant 1.000000e+00 : f32
    %lt3A_383 = vector.broadcast %lt3A_382 : f32 to vector<32x8x1xf32>
    %lt3A_384 = arith.cmpf olt, %abs3A_381, %lt3A_383 : vector<32x8x1xf32>
    %mul3A_385 = arith.constant 5.000000e-01 : f32
    %mul3A_386 = vector.broadcast %mul3A_385 : f32 to vector<32x8x1xf32>
    %mul3A_387 = arith.mulf %mul3A_386, %sub3A_380 : vector<32x8x1xf32>
    %mul3A_388 = arith.mulf %mul3A_387, %sub3A_380 : vector<32x8x1xf32>
    %sub3A_389 = arith.constant 5.000000e-01 : f32
    %sub3A_390 = vector.broadcast %sub3A_389 : f32 to vector<32x8x1xf32>
    %sub3A_391 = arith.subf %abs3A_381, %sub3A_390 : vector<32x8x1xf32>
    %select_n3A_392 = arith.select %lt3A_384, %mul3A_388, %sub3A_391 : vector<32x8x1xi1>, vector<32x8x1xf32>
    %reduce_sum3A_393 = vector.shape_cast %select_n3A_392 : vector<32x8x1xf32> to vector<1x32x8x1xf32>
    %reduce_sum3A_394 = arith.constant dense<0.000000e+00> : vector<1xf32>
    %reduce_sum3A_395 = vector.multi_reduction <add>, %reduce_sum3A_393, %reduce_sum3A_394 [1, 2, 3] : vector<1x32x8x1xf32> to vector<1xf32>
    %reduce_sum3A_396 = vector.shape_cast %reduce_sum3A_395 : vector<1xf32> to vector<1x1x1x1xf32>
    %reduce_sum3A_397 = vector.extract %reduce_sum3A_396[0, 0, 0, 0] : f32 from vector<1x1x1x1xf32>
    %add3A_398 = arith.addf %add3A_376, %reduce_sum3A_397 : f32
    %mul3A_399 = arith.mulf %broadcast_in_dim3A_170, %div3A_246 : vector<32x8x1xf32>
    %sub3A_400 = arith.constant 0.176213115 : f32
    %sub3A_401 = vector.broadcast %sub3A_400 : f32 to vector<32x8x1xf32>
    %sub3A_402 = arith.subf %mul3A_399, %sub3A_401 : vector<32x8x1xf32>
    %abs3A_403 = math.absf %sub3A_402 : vector<32x8x1xf32>
    %lt3A_404 = arith.constant 1.000000e+00 : f32
    %lt3A_405 = vector.broadcast %lt3A_404 : f32 to vector<32x8x1xf32>
    %lt3A_406 = arith.cmpf olt, %abs3A_403, %lt3A_405 : vector<32x8x1xf32>
    %mul3A_407 = arith.constant 5.000000e-01 : f32
    %mul3A_408 = vector.broadcast %mul3A_407 : f32 to vector<32x8x1xf32>
    %mul3A_409 = arith.mulf %mul3A_408, %sub3A_402 : vector<32x8x1xf32>
    %mul3A_410 = arith.mulf %mul3A_409, %sub3A_402 : vector<32x8x1xf32>
    %sub3A_411 = arith.constant 5.000000e-01 : f32
    %sub3A_412 = vector.broadcast %sub3A_411 : f32 to vector<32x8x1xf32>
    %sub3A_413 = arith.subf %abs3A_403, %sub3A_412 : vector<32x8x1xf32>
    %select_n3A_414 = arith.select %lt3A_406, %mul3A_410, %sub3A_413 : vector<32x8x1xi1>, vector<32x8x1xf32>
    %reduce_sum3A_415 = vector.shape_cast %select_n3A_414 : vector<32x8x1xf32> to vector<1x32x8x1xf32>
    %reduce_sum3A_416 = arith.constant dense<0.000000e+00> : vector<1xf32>
    %reduce_sum3A_417 = vector.multi_reduction <add>, %reduce_sum3A_415, %reduce_sum3A_416 [1, 2, 3] : vector<1x32x8x1xf32> to vector<1xf32>
    %reduce_sum3A_418 = vector.shape_cast %reduce_sum3A_417 : vector<1xf32> to vector<1x1x1x1xf32>
    %reduce_sum3A_419 = vector.extract %reduce_sum3A_418[0, 0, 0, 0] : f32 from vector<1x1x1x1xf32>
    %add3A_420 = arith.addf %add3A_398, %reduce_sum3A_419 : f32
    %mul3A_421 = arith.mulf %broadcast_in_dim3A_184, %div3A_246 : vector<32x8x1xf32>
    %sub3A_422 = arith.constant 0.121109389 : f32
    %sub3A_423 = vector.broadcast %sub3A_422 : f32 to vector<32x8x1xf32>
    %sub3A_424 = arith.subf %mul3A_421, %sub3A_423 : vector<32x8x1xf32>
    %abs3A_425 = math.absf %sub3A_424 : vector<32x8x1xf32>
    %lt3A_426 = arith.constant 1.000000e+00 : f32
    %lt3A_427 = vector.broadcast %lt3A_426 : f32 to vector<32x8x1xf32>
    %lt3A_428 = arith.cmpf olt, %abs3A_425, %lt3A_427 : vector<32x8x1xf32>
    %mul3A_429 = arith.constant 5.000000e-01 : f32
    %mul3A_430 = vector.broadcast %mul3A_429 : f32 to vector<32x8x1xf32>
    %mul3A_431 = arith.mulf %mul3A_430, %sub3A_424 : vector<32x8x1xf32>
    %mul3A_432 = arith.mulf %mul3A_431, %sub3A_424 : vector<32x8x1xf32>
    %sub3A_433 = arith.constant 5.000000e-01 : f32
    %sub3A_434 = vector.broadcast %sub3A_433 : f32 to vector<32x8x1xf32>
    %sub3A_435 = arith.subf %abs3A_425, %sub3A_434 : vector<32x8x1xf32>
    %select_n3A_436 = arith.select %lt3A_428, %mul3A_432, %sub3A_435 : vector<32x8x1xi1>, vector<32x8x1xf32>
    %reduce_sum3A_437 = vector.shape_cast %select_n3A_436 : vector<32x8x1xf32> to vector<1x32x8x1xf32>
    %reduce_sum3A_438 = arith.constant dense<0.000000e+00> : vector<1xf32>
    %reduce_sum3A_439 = vector.multi_reduction <add>, %reduce_sum3A_437, %reduce_sum3A_438 [1, 2, 3] : vector<1x32x8x1xf32> to vector<1xf32>
    %reduce_sum3A_440 = vector.shape_cast %reduce_sum3A_439 : vector<1xf32> to vector<1x1x1x1xf32>
    %reduce_sum3A_441 = vector.extract %reduce_sum3A_440[0, 0, 0, 0] : f32 from vector<1x1x1x1xf32>
    %add3A_442 = arith.addf %add3A_420, %reduce_sum3A_441 : f32
    %mul3A_443 = arith.mulf %broadcast_in_dim3A_198, %div3A_246 : vector<32x8x1xf32>
    %sub3A_444 = arith.constant 0.0648251846 : f32
    %sub3A_445 = vector.broadcast %sub3A_444 : f32 to vector<32x8x1xf32>
    %sub3A_446 = arith.subf %mul3A_443, %sub3A_445 : vector<32x8x1xf32>
    %abs3A_447 = math.absf %sub3A_446 : vector<32x8x1xf32>
    %lt3A_448 = arith.constant 1.000000e+00 : f32
    %lt3A_449 = vector.broadcast %lt3A_448 : f32 to vector<32x8x1xf32>
    %lt3A_450 = arith.cmpf olt, %abs3A_447, %lt3A_449 : vector<32x8x1xf32>
    %mul3A_451 = arith.constant 5.000000e-01 : f32
    %mul3A_452 = vector.broadcast %mul3A_451 : f32 to vector<32x8x1xf32>
    %mul3A_453 = arith.mulf %mul3A_452, %sub3A_446 : vector<32x8x1xf32>
    %mul3A_454 = arith.mulf %mul3A_453, %sub3A_446 : vector<32x8x1xf32>
    %sub3A_455 = arith.constant 5.000000e-01 : f32
    %sub3A_456 = vector.broadcast %sub3A_455 : f32 to vector<32x8x1xf32>
    %sub3A_457 = arith.subf %abs3A_447, %sub3A_456 : vector<32x8x1xf32>
    %select_n3A_458 = arith.select %lt3A_450, %mul3A_454, %sub3A_457 : vector<32x8x1xi1>, vector<32x8x1xf32>
    %reduce_sum3A_459 = vector.shape_cast %select_n3A_458 : vector<32x8x1xf32> to vector<1x32x8x1xf32>
    %reduce_sum3A_460 = arith.constant dense<0.000000e+00> : vector<1xf32>
    %reduce_sum3A_461 = vector.multi_reduction <add>, %reduce_sum3A_459, %reduce_sum3A_460 [1, 2, 3] : vector<1x32x8x1xf32> to vector<1xf32>
    %reduce_sum3A_462 = vector.shape_cast %reduce_sum3A_461 : vector<1xf32> to vector<1x1x1x1xf32>
    %reduce_sum3A_463 = vector.extract %reduce_sum3A_462[0, 0, 0, 0] : f32 from vector<1x1x1x1xf32>
    %add3A_464 = arith.addf %add3A_442, %reduce_sum3A_463 : f32
    %mul3A_465 = arith.mulf %broadcast_in_dim3A_212, %div3A_246 : vector<32x8x1xf32>
    %sub3A_466 = arith.constant 0.0270231571 : f32
    %sub3A_467 = vector.broadcast %sub3A_466 : f32 to vector<32x8x1xf32>
    %sub3A_468 = arith.subf %mul3A_465, %sub3A_467 : vector<32x8x1xf32>
    %abs3A_469 = math.absf %sub3A_468 : vector<32x8x1xf32>
    %lt3A_470 = arith.constant 1.000000e+00 : f32
    %lt3A_471 = vector.broadcast %lt3A_470 : f32 to vector<32x8x1xf32>
    %lt3A_472 = arith.cmpf olt, %abs3A_469, %lt3A_471 : vector<32x8x1xf32>
    %mul3A_473 = arith.constant 5.000000e-01 : f32
    %mul3A_474 = vector.broadcast %mul3A_473 : f32 to vector<32x8x1xf32>
    %mul3A_475 = arith.mulf %mul3A_474, %sub3A_468 : vector<32x8x1xf32>
    %mul3A_476 = arith.mulf %mul3A_475, %sub3A_468 : vector<32x8x1xf32>
    %sub3A_477 = arith.constant 5.000000e-01 : f32
    %sub3A_478 = vector.broadcast %sub3A_477 : f32 to vector<32x8x1xf32>
    %sub3A_479 = arith.subf %abs3A_469, %sub3A_478 : vector<32x8x1xf32>
    %select_n3A_480 = arith.select %lt3A_472, %mul3A_476, %sub3A_479 : vector<32x8x1xi1>, vector<32x8x1xf32>
    %reduce_sum3A_481 = vector.shape_cast %select_n3A_480 : vector<32x8x1xf32> to vector<1x32x8x1xf32>
    %reduce_sum3A_482 = arith.constant dense<0.000000e+00> : vector<1xf32>
    %reduce_sum3A_483 = vector.multi_reduction <add>, %reduce_sum3A_481, %reduce_sum3A_482 [1, 2, 3] : vector<1x32x8x1xf32> to vector<1xf32>
    %reduce_sum3A_484 = vector.shape_cast %reduce_sum3A_483 : vector<1xf32> to vector<1x1x1x1xf32>
    %reduce_sum3A_485 = vector.extract %reduce_sum3A_484[0, 0, 0, 0] : f32 from vector<1x1x1x1xf32>
    %add3A_486 = arith.addf %add3A_464, %reduce_sum3A_485 : f32
    %mul3A_487 = arith.mulf %broadcast_in_dim3A_226, %div3A_246 : vector<32x8x1xf32>
    %sub3A_488 = arith.constant 0.00877313502 : f32
    %sub3A_489 = vector.broadcast %sub3A_488 : f32 to vector<32x8x1xf32>
    %sub3A_490 = arith.subf %mul3A_487, %sub3A_489 : vector<32x8x1xf32>
    %abs3A_491 = math.absf %sub3A_490 : vector<32x8x1xf32>
    %lt3A_492 = arith.constant 1.000000e+00 : f32
    %lt3A_493 = vector.broadcast %lt3A_492 : f32 to vector<32x8x1xf32>
    %lt3A_494 = arith.cmpf olt, %abs3A_491, %lt3A_493 : vector<32x8x1xf32>
    %mul3A_495 = arith.constant 5.000000e-01 : f32
    %mul3A_496 = vector.broadcast %mul3A_495 : f32 to vector<32x8x1xf32>
    %mul3A_497 = arith.mulf %mul3A_496, %sub3A_490 : vector<32x8x1xf32>
    %mul3A_498 = arith.mulf %mul3A_497, %sub3A_490 : vector<32x8x1xf32>
    %sub3A_499 = arith.constant 5.000000e-01 : f32
    %sub3A_500 = vector.broadcast %sub3A_499 : f32 to vector<32x8x1xf32>
    %sub3A_501 = arith.subf %abs3A_491, %sub3A_500 : vector<32x8x1xf32>
    %select_n3A_502 = arith.select %lt3A_494, %mul3A_498, %sub3A_501 : vector<32x8x1xi1>, vector<32x8x1xf32>
    %reduce_sum3A_503 = vector.shape_cast %select_n3A_502 : vector<32x8x1xf32> to vector<1x32x8x1xf32>
    %reduce_sum3A_504 = arith.constant dense<0.000000e+00> : vector<1xf32>
    %reduce_sum3A_505 = vector.multi_reduction <add>, %reduce_sum3A_503, %reduce_sum3A_504 [1, 2, 3] : vector<1x32x8x1xf32> to vector<1xf32>
    %reduce_sum3A_506 = vector.shape_cast %reduce_sum3A_505 : vector<1xf32> to vector<1x1x1x1xf32>
    %reduce_sum3A_507 = vector.extract %reduce_sum3A_506[0, 0, 0, 0] : f32 from vector<1x1x1x1xf32>
    %add3A_508 = arith.addf %add3A_486, %reduce_sum3A_507 : f32
    %mul3A_509 = arith.mulf %broadcast_in_dim3A_240, %div3A_246 : vector<32x8x1xf32>
    %sub3A_510 = arith.constant 0.00221819594 : f32
    %sub3A_511 = vector.broadcast %sub3A_510 : f32 to vector<32x8x1xf32>
    %sub3A_512 = arith.subf %mul3A_509, %sub3A_511 : vector<32x8x1xf32>
    %abs3A_513 = math.absf %sub3A_512 : vector<32x8x1xf32>
    %lt3A_514 = arith.constant 1.000000e+00 : f32
    %lt3A_515 = vector.broadcast %lt3A_514 : f32 to vector<32x8x1xf32>
    %lt3A_516 = arith.cmpf olt, %abs3A_513, %lt3A_515 : vector<32x8x1xf32>
    %mul3A_517 = arith.constant 5.000000e-01 : f32
    %mul3A_518 = vector.broadcast %mul3A_517 : f32 to vector<32x8x1xf32>
    %mul3A_519 = arith.mulf %mul3A_518, %sub3A_512 : vector<32x8x1xf32>
    %mul3A_520 = arith.mulf %mul3A_519, %sub3A_512 : vector<32x8x1xf32>
    %sub3A_521 = arith.constant 5.000000e-01 : f32
    %sub3A_522 = vector.broadcast %sub3A_521 : f32 to vector<32x8x1xf32>
    %sub3A_523 = arith.subf %abs3A_513, %sub3A_522 : vector<32x8x1xf32>
    %select_n3A_524 = arith.select %lt3A_516, %mul3A_520, %sub3A_523 : vector<32x8x1xi1>, vector<32x8x1xf32>
    %reduce_sum3A_525 = vector.shape_cast %select_n3A_524 : vector<32x8x1xf32> to vector<1x32x8x1xf32>
    %reduce_sum3A_526 = arith.constant dense<0.000000e+00> : vector<1xf32>
    %reduce_sum3A_527 = vector.multi_reduction <add>, %reduce_sum3A_525, %reduce_sum3A_526 [1, 2, 3] : vector<1x32x8x1xf32> to vector<1xf32>
    %reduce_sum3A_528 = vector.shape_cast %reduce_sum3A_527 : vector<1xf32> to vector<1x1x1x1xf32>
    %reduce_sum3A_529 = vector.extract %reduce_sum3A_528[0, 0, 0, 0] : f32 from vector<1x1x1x1xf32>
    %add3A_530 = arith.addf %add3A_508, %reduce_sum3A_529 : f32
    %ge3A = arith.constant 1.000000e+03 : f32
    %ge3A_531 = arith.cmpf oge, %mul3A_13, %ge3A : f32
    %div3A_532 = arith.constant 3.328000e+03 : f32
    %div3A_533 = arith.divf %add3A_530, %div3A_532 : f32
    %jit3A = arith.constant 0.000000e+00 : f32
    %select_n3A_534 = arith.select %ge3A_531, %div3A_533, %jit3A : f32
    %get3A_535 = arith.constant 0 : index
    %get3A_536 = arith.constant 0 : index
    %get3A_537 = memref.load %arg8[%get3A_535, %get3A_536] : memref<1x1xf32, #tpu.memory_space<smem>>
    %add3A_538 = arith.addf %get3A_537, %select_n3A_534 : f32
    %swap3A = arith.constant 0 : index
    %swap3A_539 = arith.constant 0 : index
    %swap3A_540 = memref.load %arg8[%swap3A, %swap3A_539] : memref<1x1xf32, #tpu.memory_space<smem>>
    memref.store %add3A_538, %arg8[%swap3A, %swap3A_539] : memref<1x1xf32, #tpu.memory_space<smem>>
    %eq3A_541 = arith.constant 0 : i32
    %eq3A_542 = arith.cmpi eq, %arg0, %eq3A_541 : i32
    %eq3A_543 = arith.constant 17 : i32
    %eq3A_544 = arith.cmpi eq, %arg1, %eq3A_543 : i32
    %and3A_545 = arith.andi %eq3A_542, %eq3A_544 : i1
    %convert_element_type3A_546 = arith.extui %and3A_545 : i1 to i32
    %cond3A_547 = arith.constant 0 : i32
    %cond3A_548 = arith.cmpi ne, %convert_element_type3A_546, %cond3A_547 : i32
    scf.if %cond3A_548 {
      %get3A_549 = arith.constant 0 : index
      %get3A_550 = arith.constant 0 : index
      %get3A_551 = memref.load %arg8[%get3A_549, %get3A_550] : memref<1x1xf32, #tpu.memory_space<smem>>
      %get3A_552 = arith.constant 0 : index
      %get3A_553 = arith.constant 0 : index
      %get3A_554 = memref.load %arg6[%get3A_552, %get3A_553] : memref<1x1xf32, #tpu.memory_space<smem>>
      %div3A_555 = arith.divf %get3A_551, %get3A_554 : f32
      %swap3A_556 = arith.constant 0 : index
      %swap3A_557 = arith.constant 0 : index
      %swap3A_558 = memref.load %arg7[%swap3A_556, %swap3A_557] : memref<1x1xf32, #tpu.memory_space<smem>>
      memref.store %div3A_555, %arg7[%swap3A_556, %swap3A_557] : memref<1x1xf32, #tpu.memory_space<smem>>
    } else {
    }
    return
  }
  func.func @transform_0(%arg0: i32, %arg1: i32) -> (i32, i32, i32) {
    %c0_i32 = arith.constant 0 : i32
    %c0_i32_0 = arith.constant 0 : i32
    %c0_i32_1 = arith.constant 0 : i32
    return %arg1, %c0_i32, %c0_i32_0 : i32, i32, i32
  }
  func.func @transform_1(%arg0: i32, %arg1: i32) -> (i32, i32) {
    %c0_i32 = arith.constant 0 : i32
    %c0_i32_0 = arith.constant 0 : i32
    return %arg0, %c0_i32 : i32, i32
  }
  func.func @transform_2(%arg0: i32, %arg1: i32) -> (i32, i32) {
    %c0_i32 = arith.constant 0 : i32
    %c0_i32_0 = arith.constant 0 : i32
    return %arg0, %c0_i32 : i32, i32
  }
  func.func @transform_3(%arg0: i32, %arg1: i32) -> (i32, i32) {
    %c0_i32 = arith.constant 0 : i32
    %c0_i32_0 = arith.constant 0 : i32
    return %arg0, %c0_i32 : i32, i32
  }
  func.func @transform_4(%arg0: i32, %arg1: i32) -> (i32, i32) {
    %c0_i32 = arith.constant 0 : i32
    %c0_i32_0 = arith.constant 0 : i32
    %c0_i32_1 = arith.constant 0 : i32
    return %c0_i32, %c0_i32_0 : i32, i32
  }
  func.func @transform_5(%arg0: i32, %arg1: i32) -> (i32, i32) {
    %c0_i32 = arith.constant 0 : i32
    %c0_i32_0 = arith.constant 0 : i32
    %c0_i32_1 = arith.constant 0 : i32
    return %c0_i32, %c0_i32_0 : i32, i32
  }
}

</mosaic_0001>

<sc_bundles>
// kernel: kernel.5.cloned.1.call-start
scs
__scs_entry_jumppad:
0x0: {  	(pc) =	sbr.rel $0x88, $3  }
0x1: {  	(tag) =	ssettag $0x0;
	lr =	simm.s32 $0x1  }
0x2: {  	[smem:$0x3F9F] =	sst lr;
	_ =	strace $0xD0000000  }
0x3: {  	_ = 	snop  }
0x4: {  	_ = 	snop  }
0x5: {  	_ = 	snop  }
0x6: {  	_ = 	snop  }
0x7: {  	_ = 	snop  }
__scs_overlays_trampoline_lowered:
0x8: {  	[smem:$0x3FAE] =	sst s0  }
0x9: {  	[smem:$0x3FAF] =	sst s1  }
0xa: {  	[smem:$0x3FB0] =	sst s2  }
0xb: {  	[smem:$0x3FB1] =	sst s3  }
0xc: {  	[smem:$0x3FB2] =	sst s4  }
0xd: {  	[smem:$0x3FB3] =	sst s5  }
0xe: {  	[smem:$0x3FB4] =	sst s6  }
0xf: {  	[smem:$0x3FB5] =	sst s7  }
0x10: {  	[smem:$0x3FB6] =	sst s8  }
0x11: {  	[smem:$0x3FB7] =	sst s9;
	s0 =	simm.s32 @!p0 $0x0  }
0x12: {  	s1 =	sld [smem:$0x3F9D];
	s0 =	simm.s32 @p0 $0x1  }
0x13: {  	[smem:$0x3FB8] =	sst s0;
	s0 =	simm.s32 @!p1 $0x0  }
0x14: {  	s2 =	sld [smem:$0x3F9C];
	s0 =	simm.s32 @p1 $0x1  }
0x15: {  	[smem:$0x3FB9] =	sst s0;
	s0 =	simm.s32 @!p2 $0x0  }
0x16: {  	s3 =	sld [smem:$0x3FDB];
	s0 =	simm.s32 @p2 $0x1  }
0x17: {  	s4 =	simm.s32 $0x1BF5;
	[smem:$0x3FBB] =	sst s0  }
0x18: {  	s0 =	sld [smem:$0x3F9E];
	_ =	swait.ge [sflag:s4], $0x0  }
0x19: {  	s7 =	sld [smem:$0x3F9F]  }
0x1a: {  	s8 =	sadd.s32 $0xFFFFE003, lr  }
0x1b: {  	s9 =	sadd.s32 $0xFFFFFEF7, lr;
	s5 =	simm.s32 $0xFFFFFFFF;
	p2 =	slt.u32 s8, $0xFFFFF086  }
0x1c: {  	p1 =	slt.u32 s9, $0xF7A;
	s5 =	simm.s32 @!p2 $0x0  }
0x1d: {  	s5 =	simm.s32 @p1 $0x1;
	p0 =	seq.s32 s7, s2  }
0x1e: {  	s7 =	smul.u32 @!p0 $0xF7A, s2;
	p2 =	seq.s32 @!p0 s5, $0x0  }
0x1f: {  	s9 =	smul.u32 $0xF7A, s1;
	s8 =	simm.s32 @!p0 $0x1BF5;
	p2 =	por !p2, p0  }
0x20: {  	[sflag:s8] =	ssyncset.s32 @!p0 $0xFFFFF086;
	s6 =	sadd.s32 @!p0 s3, s7;
	s7 =	simm.s32 @!p0 $0x108  }
0x21: {  	s3 =	sadd.s32 s3, s9;
	s6 =	sadd.s32 @!p0 $0x88, s6;
	s7 =	simm.s32 @p2 $0x1082  }
0x22: {  	[simem:s7], [sflag:s8] =	dma.local @!p0 [hbm:s6], $0xF7A  }
0x23: {  	s9 =	sor.u32 $0xD0000000, s2;
	s6 =	simm.s32 $0x108;
	_ =	swait.ge @!p0 [sflag:s8], $0x0  }
0x24: {  	s3 =	sadd.s32 $0x88, s3;
	s6 =	simm.s32 @!p1 $0x1082;
	[sflag:s4] =	ssyncset.s32 $0xFFFFF086  }
0x25: {  	[simem:s6], [sflag:s4] =	dma.local [hbm:s3], $0xF7A  }
0x26: {  	[smem:$0x3F9F] =	sst s1;
	(tag) =	ssettag s2;
	_ =	strace s9  }
0x27: {  	s1 =	sld [smem:$0x3FAF]  }
0x28: {  	s2 =	sld [smem:$0x3FB0]  }
0x29: {  	s4 =	sld [smem:$0x3FB2]  }
0x2a: {  	p0 =	seq.s32 s5, $0x0;
	s5 =	sld [smem:$0x3FB3]  }
0x2b: {  	s6 =	sld [smem:$0x3FB4]  }
0x2c: {  	s7 =	sld [smem:$0x3FB5]  }
0x2d: {  	s3 =	simm.s32 $0x108;
	s8 =	sld [smem:$0x3FB6]  }
0x2e: {  	s3 =	simm.s32 @!p0 $0x1082;
	s9 =	sld [smem:$0x3FB7]  }
0x2f: {  	lr =	sadd.s32 s0, s3;
	s0 =	sld [smem:$0x3FAE]  }
0x30: {  	s3 =	sld [smem:$0x3FB1]  }
0x31: {  	[smem:$0x3FBA] =	sst s10  }
0x32: {  	s10 =	sld [smem:$0x3FB8];
	_ =	sdelay $0x3  }
0x33: {  	p0 =	seq.s32 s10, $0x1;
	s10 =	sld [smem:$0x3FBA];
	_ =	sdelay $0x3  }
0x34: {  	[smem:$0x3FBA] =	sst s10  }
0x35: {  	s10 =	sld [smem:$0x3FB9];
	_ =	sdelay $0x3  }
0x36: {  	p1 =	seq.s32 s10, $0x1;
	s10 =	sld [smem:$0x3FBA];
	_ =	sdelay $0x3  }
0x37: {  	[smem:$0x3FBA] =	sst s10  }
0x38: {  	s10 =	sld [smem:$0x3FBB]  }
0x39: {  	_ = 	snop;
	(pc) =	sbr.ind lr, $3  }
0x3a: {  	_ = 	snop  }
0x3b: {  	_ = 	snop  }
0x3c: {  	p2 =	seq.s32 s10, $0x1;
	s10 =	sld [smem:$0x3FBA]  }
0x3d: {  	_ =	shalt  }
0x3e: {  	_ =	shalt  }
0x3f: {  	_ =	shalt  }
0x40: {  	_ =	shalt  }
0x41: {  	_ =	shalt  }
0x42: {  	_ =	shalt  }
0x43: {  	_ =	shalt  }
0x44: {  	_ =	shalt  }
0x45: {  	_ =	shalt  }
0x46: {  	_ =	shalt  }
0x47: {  	_ =	shalt  }
0x48: {  	_ =	shalt  }
0x49: {  	_ =	shalt  }
0x4a: {  	_ =	shalt  }
0x4b: {  	_ =	shalt  }
0x4c: {  	_ =	shalt  }
0x4d: {  	_ =	shalt  }
0x4e: {  	_ =	shalt  }
0x4f: {  	_ =	shalt  }
0x50: {  	_ =	shalt  }
0x51: {  	_ =	shalt  }
0x52: {  	_ =	shalt  }
0x53: {  	_ =	shalt  }
0x54: {  	_ =	shalt  }
0x55: {  	_ =	shalt  }
0x56: {  	_ =	shalt  }
0x57: {  	_ =	shalt  }
0x58: {  	_ =	shalt  }
0x59: {  	_ =	shalt  }
0x5a: {  	_ =	shalt  }
0x5b: {  	_ =	shalt  }
0x5c: {  	_ =	shalt  }
0x5d: {  	_ =	shalt  }
0x5e: {  	_ =	shalt  }
0x5f: {  	_ =	shalt  }
0x60: {  	_ =	shalt  }
0x61: {  	_ =	shalt  }
0x62: {  	_ =	shalt  }
0x63: {  	_ =	shalt  }
0x64: {  	_ =	shalt  }
0x65: {  	_ =	shalt  }
0x66: {  	_ =	shalt  }
0x67: {  	_ =	shalt  }
0x68: {  	_ =	shalt  }
0x69: {  	_ =	shalt  }
0x6a: {  	_ =	shalt  }
0x6b: {  	_ =	shalt  }
0x6c: {  	_ =	shalt  }
0x6d: {  	_ =	shalt  }
0x6e: {  	_ =	shalt  }
0x6f: {  	_ =	shalt  }
0x70: {  	_ =	shalt  }
0x71: {  	_ =	shalt  }
0x72: {  	_ =	shalt  }
0x73: {  	_ =	shalt  }
0x74: {  	_ =	shalt  }
0x75: {  	_ =	shalt  }
0x76: {  	_ =	shalt  }
0x77: {  	_ =	shalt  }
0x78: {  	_ =	shalt  }
0x79: {  	_ =	shalt  }
0x7a: {  	_ =	shalt  }
0x7b: {  	_ =	shalt  }
0x7c: {  	_ =	shalt  }
0x7d: {  	_ =	shalt  }
0x7e: {  	_ =	shalt  }
0x7f: {  	_ =	shalt  }
0x80: {  	_ =	shalt  }
0x81: {  	_ =	shalt  }
0x82: {  	_ =	shalt  }
0x83: {  	_ =	shalt  }
0x84: {  	_ =	shalt  }
0x85: {  	_ =	shalt  }
0x86: {  	_ =	shalt  }
0x87: {  	_ =	shalt  }
.Lfunc_end0:
.L_simem_size_0:
called_computation_lowered:
.L_overlay_start_0:
0x88: {  	s2 =	sld [smem:$0x3FD9]  }
0x89: {  	s3 =	sld [smem:$0x3FFE];
	_ =	sdelay $0x1  }
0x8a: {  	s1 =	srdreg.scid  }
0x8b: {  	s0 =	sand.u32 $0x1, s1  }
0x8c: {  	s16 =	sshll.u32 s0, $0xA;
	s2 =	sadd.s32 s3, s2  }
0x8d: {  	s2 =	sadd.s32 s2, s16  }
0x8e: {  	[smem:$0x3FC6] =	sst s2  }
0x8f: {  	_ = 	snop  }
0x90: {  	(tm) =	ssettm $0x1  }
0x91: {  	s17 =	sld [smem:$0x3FFB];
	_ =	sdelay $0x3  }
0x92: {  	_ =	strace s17  }
0x93: {  	s2 =	sld [smem:$0x3FFC];
	_ =	sdelay $0x3  }
0x94: {  	_ =	strace s2  }
0x95: {  	s2 =	sld [smem:$0x3FFD];
	_ =	sdelay $0x3  }
0x96: {  	_ =	strace s2  }
0x97: {  	_ =	strace $0x8FFFFFFF  }
0x98: {  	s18 =	sld [smem:$0x3FDB];
	_ =	sdelay $0x1  }
0x99: {  	s19 =	simm.s32 $_scs_section_size  }
0x9a: {  	s4 =	simm.s32 $_size__tile_overlayer_lowered;
	s5 =	simm.s32 $_tile_overlayer_lowered  }
0x9b: {  	s22 =	simm.s32 $0x1BFF;
	s21 =	sshll.u32 s5, $0x1;
	s2 =	sadd.s32 s19, s18  }
0x9c: {  	s6 =	simm.s32 $0x0;
	s20 =	sshll.u32 s4, $0x1;
	s4 =	sadd.s32 s21, s2  }
0x9d: {  	[timem:s6], [sflag:s22] =	dma.local [hbm:s4], s20  }
0x9e: {  	_ =	swait.ge [sflag:s22], s20  }
0x9f: {  	s3 =	ssub.s32 $0x0, s20;
	[sflag:s22] =	ssyncset.done $0x0  }
0xa0: {  	[sflag:s22] =	ssyncadd.s32 s3;
	_ =	sdelay $0x1  }
0xa1: {  	s23 =	simm.s32 $0x1B8B  }
0xa2: {  	_ =	swait.ge [sflag:s23], $0x1  }
0xa3: {  	[sflag:s23] =	ssyncset.done $0x0  }
0xa4: {  	s25 =	simm.s32 $0x1B8E;
	s24 =	sld [smem:$0x3FFE];
	[sflag:s23] =	ssyncadd.s32 $0xFFFFFFFF  }
0xa5: {  	s26 =	simm.s32 $execute0_lowered;
	[smem:$0x3FD2] =	sst s25  }
0xa6: {  	s4 =	sshll.u32 s26, $0x1;
	_ =	strace $0x80000046;
	[dreg:$0x1] =	wrdreg $0xFFFFFFFF  }
0xa7: {  	s28 =	simm.s32 $_size_execute0_lowered;
	s2 =	sadd.s32 s2, s4;
	[dreg:$0x0] =	wrdreg $0x0  }
0xa8: {  	s4 =	sshll.u32 s28, $0x1;
	[dreg:$0x2] =	wrdreg s2  }
0xa9: {  	[dreg:$0x3] =	wrdreg s4  }
0xaa: {  	[dreg:$0x4] =	wrdreg $0xC0  }
0xab: {  	_ =	task [dreg:s6], $0x5FFFF  }
0xac: {  	[dreg:$0x1] =	wrdreg $0xFFFFFFFF  }
0xad: {  	[dreg:$0x0] =	wrdreg $0x60  }
0xae: {  	[dreg:$0x2] =	wrdreg s24  }
0xaf: {  	[dreg:$0x3] =	wrdreg $0x9  }
0xb0: {  	_ =	task.clear_ibuf [dreg:s6], $0x4FFFF;
	_ =	strace $0x90000046  }
0xb1: {  	s29 =	simm.s32 $0x9;
	_ =	strace $0x80000048  }
0xb2: {  	_ =	swait.ge [sflag:s29], $0x1  }
0xb3: {  	[sflag:s29] =	ssyncadd.s32 $0xFFFFFFFF  }
0xb4: {  	_ =	strace $0x90000048  }
0xb5: {  	_ =	sfence  }
0xb6: {  	s30 =	sld [smem:$0x0];
	_ =	sdelay $0x2  }
0xb7: {  	s31 =	sshll.u32 s1, $0xD;
	s1 =	sshrl.u32 s1, $0x2  }
0xb8: {  	s3 =	sand.u32 $0x4000, s31;
	s1 =	sadd.s32 s1, s30  }
0xb9: {  	s0 =	sor.u32 s3, s0;
	s1 =	sshll.u32 s1, $0x11  }
0xba: {  	s0 =	sor.u32 s1, s0  }
0xbb: {  	s0 =	sadd.s32 $0x8F2B, s0  }
0xbc: {  	[sflag:s0] =	ssyncadd.remote.s32 $0x1  }
0xbd: {  	_ =	sfence.sel $0xFFFF  }
0xbe: {  	[dreg:$0x0] =	wrdreg $0xFFFFFFFF;
	(pc) =	sbr.abs _section_cstart, $3  }
0xbf: {  	[dreg:$0x1] =	wrdreg $0xFFFFFFFF  }
0xc0: {  	_ =	task.clear_ibuf [dreg:s6], $0x2FFFF;
	_ =	strace $0x9FFFFFFF  }
0xc1: {  	(tm) =	ssettm $0x7FFFFFFF  }
tec
execute0_lowered:
.L_overlay_start_1:
0x0: {  	(tag) =	ssettag $0x1  }
0x1: {  	s0 =	rddreg [dreg:$0x0];
	s4 =	stileid.u32  }
0x2: {  	s1 =	srdreg.scid;
	s2 =	simm.s32 $0x0;
	s30 =	simm.s32 $0x80  }
0x3: {  	s31 =	simm.s32 $0x400;
	s1 =	sand.u32 $0x1, s1;
	s3 =	sshll.u32 s4, $0x1  }
0x4: {  	[smem:$0x7FF] =	sst s2;
	s4 =	sshll.u32 s4, $0xA;
	s3 =	sor.u32 s1, s3  }
0x5: {  	_ =	strace $0x80000047;
	s4 =	sand.u32 $0x3000, s4;
	s1 =	ssub.s32 $0x2, s1  }
0x6: {  	s5 =	sshll.u32 s3, $0x4;
	s4 =	sadd.s32 s4, s0;
	s3 =	sshll.u32 s3, $0x8  }
0x7: {  	s6 =	sshrl.u32 s1, $0x1;
	s5 =	sand.u32 $0x70, s5;
	s0 =	sadd.s32 s3, s0  }
0x8: {  	s1 =	ssub.s32 s1, s6;
	s3 =	simm.s32 $0x1;
	s18 =	sadd.s32 $0x4800, s0  }
0x9: {  	s4 =	sadd.s32 s5, s4;
	s19 =	sadd.s32 $0x4810, s0;
	[dreg:$0x3] =	wrdreg s18  }
0xa: {  	s20 =	sadd.s32 $0x4820, s0;
	s21 =	sadd.s32 $0x4830, s0;
	[dreg:$0x4] =	wrdreg s19  }
0xb: {  	s22 =	sadd.s32 $0x4840, s0;
	s23 =	sadd.s32 $0x4850, s0;
	[dreg:$0x5] =	wrdreg s20  }
0xc: {  	s24 =	sadd.s32 $0x4860, s0;
	s25 =	sadd.s32 $0x4870, s0;
	[dreg:$0x6] =	wrdreg s21  }
0xd: {  	s26 =	sadd.s32 $0x6800, s0;
	s13 =	sadd.s32 $0x6810, s0;
	[dreg:$0x7] =	wrdreg s22  }
0xe: {  	s14 =	sadd.s32 $0x6820, s0;
	s15 =	sadd.s32 $0x6830, s0;
	[dreg:$0x8] =	wrdreg s23  }
0xf: {  	s16 =	sadd.s32 $0x6840, s0;
	s28 =	sadd.s32 $0x8870, s0;
	[dreg:$0x9] =	wrdreg s24  }
0x10: {  	s29 =	smax.u32 s1, $0x1;
	s1 =	simm.s32 $0x1000;
	[dreg:$0xa] =	wrdreg s25  }
0x11: {  	s17 =	sadd.s32 $0x800, s4;
	[dreg:$0xb] =	wrdreg s26;
	s18 =	sadd.s32 $0x6860, s0  }
0x12: {  	s19 =	sadd.s32 $0x6870, s0;
	s20 =	sadd.s32 $0x8800, s0;
	s21 =	sadd.s32 $0x8810, s0  }
0x13: {  	s22 =	sadd.s32 $0x8820, s0;
	s23 =	sadd.s32 $0x8830, s0;
	s24 =	sadd.s32 $0x8840, s0  }
0x14: {  	v0 =	vlaneseq.u32;
	s25 =	sadd.s32 $0x8850, s0;
	s26 =	sadd.s32 $0x8860, s0;
	s4 =	simm.s32 $0x0  }
0x15: {  	v1 =	vimm.f32 $0.0e+00;
	v3 =	vimm.f32 $1.000000000e+00;
	v2 =	vmul.u32 $0x4, v0;
	[dreg:$0x2] =	wrdreg s17;
	s17 =	sadd.s32 $0x6850, s0;
	s0 =	simm.s32 $0x2  }
.LBB2_1:
0x16: {  	s5 =	rddreg [dreg:$0x2]  }
0x17: {  	[tilespmem:s2], [sflag:$0x2] =	stream.strided.gather [hbm4b:s5+s30], $0x1000, s31, s30, $0x38;
	[tilespmem:$0x2800] =	vst v63  }
0x18: {  	_ =	swait.ge [sflag:s0], $0x1000  }
0x19: {  	[sflag:s0] =	ssyncset.done $0x0  }
0x1a: {  	s5 =	simm.s32 $0x0;
	[sflag:s0] =	ssyncadd.s32 $0xFFFFF000  }
.LBB2_2:
0x1b: {  	p0 =	sne.s32 s5, $0x5FC0  }
.Ltmp0:
0x1c: {  	_ = 	snop;
	(pc) =	sbr.rel @p0 .LBB2_2-.Ltmp0, $3  }
0x1d: {  	_ =	sdelay $0x1  }
0x1e: {  	s6 =	sshra.s32 s5, $0x2  }
0x1f: {  	s5 =	sadd.s32 $0x40, s5;
	[tilespmem:s6+$0x1000] =	vst v1  }
0x20: {  	s5 =	simm.s32 $0x0  }
0x21: {  	s6 =	sand.u32 $0x70, s5  }
0x22: {  	s7 =	simm.s32 $0x0;
	v4 =	vmov s6  }
0x23: {  	s8 =	simm.s32 $0x0;
	s7 =	sand.u32 $0x3, s7;
	v4 =	vshll.u32 v4, $0x2  }
0x24: {  	s7 =	sor.u32 s7, s8;
	v4 =	vor.u32 v2, v4  }
0x25: {  	v4 =	vor.u32 s7, v4;
	_ =	sdelay $0x1  }
0x26: {  	s5 =	sand.u32 $0x60, s5  }
0x27: {  	p0 =	por $0x1, $0x1;
	p1 =	sne.s32 s5, $0x0  }
0x28: {  	p0 =	por !p0, !p1  }
0x29: {  	p0 =	por !p0, !p0;
	s7 =	simm.s32 $0xFFFFFFFF;
	v4 =	vld.idx.msk [tilespmem:v4+s2+$0x0], $0xffff  }
0x2a: {  	s7 =	simm.s32 @!p0 $0x0  }
0x2b: {  	s9 =	simm.s32 $0x2;
	s12 =	sshll.u32 s7, $0x7  }
0x2c: {  	s5 =	simm.s32 $0x1;
	s8 =	simm.s32 $0x10;
	s11 =	sadd.s32 $0x0, s12  }
0x2d: {  	s10 =	sand.u32 $0x70, s8;
	s7 =	simm.s32 $0x0;
	s11 =	sand.u32 $0xFFFFFF80, s11  }
.LBB2_4:
0x2e: {  	p0 =	sne.s32 s9, $0xFF;
	s12 =	sshrl.u32 s5, $0x3;
	v5 =	vmov s10;
	s6 =	sor.u32 s6, s11;
	v4 =	vshll.u32 v4, $0x8  }
0x2f: {  	s11 =	sand.u32 $0x3, s12;
	s12 =	sshll.u32 s7, $0x9;
	v5 =	vshll.u32 v5, $0x2;
	v4 =	vadd.s32 s6, v4;
	s6 =	smov.u32 s10  }
0x30: {  	s10 =	sor.u32 s11, s12;
	v5 =	vor.u32 v2, v5;
	v4 =	vor.u32 v0, v4;
	s11 =	smov.u32 s5;
	s5 =	smov.u32 s9  }
0x31: {  	v5 =	vor.u32 s10, v5;
	_ =	sdelay $0x2  }
0x32: {  	s10 =	sand.u32 $0x60, s11  }
0x33: {  	p1 =	seq.s32 s7, $0x0;
	p2 =	sne.s32 s10, $0x0;
	[tilespmem:v4+s1+$0x0] =	vst.idx.add.f32.msk $0xffff, v3  }
0x34: {  	p1 =	por !p1, !p2;
	v4 =	vld.idx.msk [tilespmem:v5+s2+$0x0], $0xffff  }
.Ltmp1:
0x35: {  	s7 =	simm.s32 $0xFFFFFFFF;
	p1 =	por !p1, !p1;
	(pc) =	sbr.rel @p0 .LBB2_4-.Ltmp1, $4  }
0x36: {  	s7 =	simm.s32 @!p1 $0x0  }
0x37: {  	s10 =	sshll.u32 s7, $0x7  }
0x38: {  	s8 =	sadd.s32 $0x10, s8;
	s7 =	sshrl.u32 s9, $0x5;
	s11 =	sadd.s32 s10, s11  }
0x39: {  	s9 =	sadd.s32 $0x1, s9;
	s10 =	sand.u32 $0x70, s8;
	s11 =	sand.u32 $0xFFFFFF80, s11  }
0x3a: {  	s6 =	sor.u32 s6, s11;
	s8 =	sshrl.u32 s5, $0x3;
	v5 =	vmov s10;
	v4 =	vshll.u32 v4, $0x8  }
0x3b: {  	s11 =	sshll.u32 s7, $0x9;
	s8 =	sand.u32 $0x3, s8;
	v4 =	vadd.s32 s6, v4;
	v5 =	vshll.u32 v5, $0x2  }
0x3c: {  	s6 =	sor.u32 s8, s11;
	v5 =	vor.u32 v2, v5;
	v4 =	vor.u32 v0, v4  }
0x3d: {  	v5 =	vor.u32 s6, v5;
	_ =	sdelay $0x1  }
0x3e: {  	s12 =	sand.u32 $0x60, s5  }
0x3f: {  	p0 =	seq.s32 s7, $0x0;
	p1 =	sne.s32 s12, $0x0  }
0x40: {  	p0 =	por !p0, !p1;
	[tilespmem:v4+s1+$0x0] =	vst.idx.add.f32.msk $0xffff, v3  }
0x41: {  	p0 =	por !p0, !p0;
	s6 =	simm.s32 $0xFFFFFFFF;
	v4 =	vld.idx.msk [tilespmem:v5+s2+$0x0], $0xffff  }
0x42: {  	s6 =	simm.s32 @!p0 $0x0  }
0x43: {  	s6 =	sshll.u32 s6, $0x7  }
0x44: {  	s7 =	sadd.s32 s6, s5  }
0x45: {  	s5 =	sand.u32 $0xFFFFFF80, s7  }
0x46: {  	s5 =	sor.u32 s10, s5;
	v4 =	vshll.u32 v4, $0x8  }
0x47: {  	v4 =	vadd.s32 s5, v4  }
0x48: {  	v4 =	vor.u32 v0, v4;
	_ =	sdelay $0x4  }
0x49: {  	s8 =	rddreg [dreg:$0x3];
	[tilespmem:v4+s1+$0x0] =	vst.idx.add.f32.msk $0xffff, v3  }
0x4a: {  	[hbm4b:s8+s30] =	stream.strided.scatter [tilespmem:s1], [sflag:$0x1], $0x100, s31, s30, $0x38;
	[tilespmem:$0x2800] =	vst v63  }
0x4b: {  	s9 =	rddreg [dreg:$0x4];
	s10 =	simm.s32 $0x1100  }
0x4c: {  	[hbm4b:s9+s30] =	stream.strided.scatter [tilespmem:s10], [sflag:$0x1], $0x100, s31, s30, $0x38;
	[tilespmem:$0x2800] =	vst v63  }
0x4d: {  	s12 =	simm.s32 $0x1200;
	s11 =	rddreg [dreg:$0x5]  }
0x4e: {  	[hbm4b:s11+s30] =	stream.strided.scatter [tilespmem:s12], [sflag:$0x1], $0x100, s31, s30, $0x38;
	[tilespmem:$0x2800] =	vst v63  }
0x4f: {  	s7 =	rddreg [dreg:$0x6];
	s8 =	simm.s32 $0x1300  }
0x50: {  	[hbm4b:s7+s30] =	stream.strided.scatter [tilespmem:s8], [sflag:$0x1], $0x100, s31, s30, $0x38;
	[tilespmem:$0x2800] =	vst v63  }
0x51: {  	s9 =	rddreg [dreg:$0x7];
	s10 =	simm.s32 $0x1400  }
0x52: {  	[hbm4b:s9+s30] =	stream.strided.scatter [tilespmem:s10], [sflag:$0x1], $0x100, s31, s30, $0x38;
	[tilespmem:$0x2800] =	vst v63  }
0x53: {  	s11 =	rddreg [dreg:$0x8];
	s12 =	simm.s32 $0x1500  }
0x54: {  	[hbm4b:s11+s30] =	stream.strided.scatter [tilespmem:s12], [sflag:$0x1], $0x100, s31, s30, $0x38;
	[tilespmem:$0x2800] =	vst v63  }
0x55: {  	s6 =	rddreg [dreg:$0x9];
	s7 =	simm.s32 $0x1600  }
0x56: {  	[hbm4b:s6+s30] =	stream.strided.scatter [tilespmem:s7], [sflag:$0x1], $0x100, s31, s30, $0x38;
	[tilespmem:$0x2800] =	vst v63  }
0x57: {  	s8 =	rddreg [dreg:$0xa];
	s9 =	simm.s32 $0x1700  }
0x58: {  	[hbm4b:s8+s30] =	stream.strided.scatter [tilespmem:s9], [sflag:$0x1], $0x100, s31, s30, $0x38;
	[tilespmem:$0x2800] =	vst v63  }
0x59: {  	s10 =	rddreg [dreg:$0xb];
	s11 =	simm.s32 $0x1800  }
0x5a: {  	[hbm4b:s10+s30] =	stream.strided.scatter [tilespmem:s11], [sflag:$0x1], $0x100, s31, s30, $0x38;
	[tilespmem:$0x2800] =	vst v63  }
0x5b: {  	s12 =	simm.s32 $0x1900  }
0x5c: {  	[hbm4b:s13+s30] =	stream.strided.scatter [tilespmem:s12], [sflag:$0x1], $0x100, s31, s30, $0x38;
	[tilespmem:$0x2800] =	vst v63  }
0x5d: {  	s6 =	simm.s32 $0x1A00  }
0x5e: {  	[hbm4b:s14+s30] =	stream.strided.scatter [tilespmem:s6], [sflag:$0x1], $0x100, s31, s30, $0x38;
	[tilespmem:$0x2800] =	vst v63  }
0x5f: {  	s7 =	simm.s32 $0x1B00  }
0x60: {  	[hbm4b:s15+s30] =	stream.strided.scatter [tilespmem:s7], [sflag:$0x1], $0x100, s31, s30, $0x38;
	[tilespmem:$0x2800] =	vst v63  }
0x61: {  	s8 =	simm.s32 $0x1C00  }
0x62: {  	[hbm4b:s16+s30] =	stream.strided.scatter [tilespmem:s8], [sflag:$0x1], $0x100, s31, s30, $0x38;
	[tilespmem:$0x2800] =	vst v63  }
0x63: {  	s9 =	simm.s32 $0x1D00  }
0x64: {  	[hbm4b:s17+s30] =	stream.strided.scatter [tilespmem:s9], [sflag:$0x1], $0x100, s31, s30, $0x38;
	[tilespmem:$0x2800] =	vst v63  }
0x65: {  	s10 =	simm.s32 $0x1E00  }
0x66: {  	[hbm4b:s18+s30] =	stream.strided.scatter [tilespmem:s10], [sflag:$0x1], $0x100, s31, s30, $0x38;
	[tilespmem:$0x2800] =	vst v63  }
0x67: {  	s11 =	simm.s32 $0x1F00  }
0x68: {  	[hbm4b:s19+s30] =	stream.strided.scatter [tilespmem:s11], [sflag:$0x1], $0x100, s31, s30, $0x38;
	[tilespmem:$0x2800] =	vst v63  }
0x69: {  	s12 =	simm.s32 $0x2000  }
0x6a: {  	[hbm4b:s20+s30] =	stream.strided.scatter [tilespmem:s12], [sflag:$0x1], $0x100, s31, s30, $0x38;
	[tilespmem:$0x2800] =	vst v63  }
0x6b: {  	s6 =	simm.s32 $0x2100  }
0x6c: {  	[hbm4b:s21+s30] =	stream.strided.scatter [tilespmem:s6], [sflag:$0x1], $0x100, s31, s30, $0x38;
	[tilespmem:$0x2800] =	vst v63  }
0x6d: {  	s7 =	simm.s32 $0x2200  }
0x6e: {  	[hbm4b:s22+s30] =	stream.strided.scatter [tilespmem:s7], [sflag:$0x1], $0x100, s31, s30, $0x38;
	[tilespmem:$0x2800] =	vst v63  }
0x6f: {  	s8 =	simm.s32 $0x2300  }
0x70: {  	[hbm4b:s23+s30] =	stream.strided.scatter [tilespmem:s8], [sflag:$0x1], $0x100, s31, s30, $0x38;
	[tilespmem:$0x2800] =	vst v63  }
0x71: {  	s9 =	simm.s32 $0x2400  }
0x72: {  	[hbm4b:s24+s30] =	stream.strided.scatter [tilespmem:s9], [sflag:$0x1], $0x100, s31, s30, $0x38;
	[tilespmem:$0x2800] =	vst v63  }
0x73: {  	s10 =	simm.s32 $0x2500  }
0x74: {  	[hbm4b:s25+s30] =	stream.strided.scatter [tilespmem:s10], [sflag:$0x1], $0x100, s31, s30, $0x38;
	[tilespmem:$0x2800] =	vst v63  }
0x75: {  	s11 =	simm.s32 $0x2600  }
0x76: {  	[hbm4b:s26+s30] =	stream.strided.scatter [tilespmem:s11], [sflag:$0x1], $0x100, s31, s30, $0x38;
	[tilespmem:$0x2800] =	vst v63  }
0x77: {  	s12 =	simm.s32 $0x2700  }
0x78: {  	[hbm4b:s28+s30] =	stream.strided.scatter [tilespmem:s12], [sflag:$0x1], $0x100, s31, s30, $0x38;
	[tilespmem:$0x2800] =	vst v63  }
0x79: {  	_ =	swait.ge [sflag:s3], $0x100  }
0x7a: {  	[sflag:s3] =	ssyncset.done $0x0  }
0x7b: {  	[sflag:s3] =	ssyncadd.s32 $0xFFFFFF00  }
0x7c: {  	_ =	swait.ge [sflag:s3], $0x100  }
0x7d: {  	[sflag:s3] =	ssyncset.done $0x0  }
0x7e: {  	[sflag:s3] =	ssyncadd.s32 $0xFFFFFF00  }
0x7f: {  	_ =	swait.ge [sflag:s3], $0x100  }
0x80: {  	[sflag:s3] =	ssyncset.done $0x0  }
0x81: {  	[sflag:s3] =	ssyncadd.s32 $0xFFFFFF00  }
0x82: {  	_ =	swait.ge [sflag:s3], $0x100  }
0x83: {  	[sflag:s3] =	ssyncset.done $0x0  }
0x84: {  	[sflag:s3] =	ssyncadd.s32 $0xFFFFFF00  }
0x85: {  	_ =	swait.ge [sflag:s3], $0x100  }
0x86: {  	[sflag:s3] =	ssyncset.done $0x0  }
0x87: {  	[sflag:s3] =	ssyncadd.s32 $0xFFFFFF00  }
0x88: {  	_ =	swait.ge [sflag:s3], $0x100  }
0x89: {  	[sflag:s3] =	ssyncset.done $0x0  }
0x8a: {  	[sflag:s3] =	ssyncadd.s32 $0xFFFFFF00  }
0x8b: {  	_ =	swait.ge [sflag:s3], $0x100  }
0x8c: {  	[sflag:s3] =	ssyncset.done $0x0  }
0x8d: {  	[sflag:s3] =	ssyncadd.s32 $0xFFFFFF00  }
0x8e: {  	_ =	swait.ge [sflag:s3], $0x100  }
0x8f: {  	[sflag:s3] =	ssyncset.done $0x0  }
0x90: {  	[sflag:s3] =	ssyncadd.s32 $0xFFFFFF00  }
0x91: {  	_ =	swait.ge [sflag:s3], $0x100  }
0x92: {  	[sflag:s3] =	ssyncset.done $0x0  }
0x93: {  	[sflag:s3] =	ssyncadd.s32 $0xFFFFFF00  }
0x94: {  	_ =	swait.ge [sflag:s3], $0x100  }
0x95: {  	[sflag:s3] =	ssyncset.done $0x0  }
0x96: {  	[sflag:s3] =	ssyncadd.s32 $0xFFFFFF00  }
0x97: {  	_ =	swait.ge [sflag:s3], $0x100  }
0x98: {  	[sflag:s3] =	ssyncset.done $0x0  }
0x99: {  	[sflag:s3] =	ssyncadd.s32 $0xFFFFFF00  }
0x9a: {  	_ =	swait.ge [sflag:s3], $0x100  }
0x9b: {  	[sflag:s3] =	ssyncset.done $0x0  }
0x9c: {  	[sflag:s3] =	ssyncadd.s32 $0xFFFFFF00  }
0x9d: {  	_ =	swait.ge [sflag:s3], $0x100  }
0x9e: {  	[sflag:s3] =	ssyncset.done $0x0  }
0x9f: {  	[sflag:s3] =	ssyncadd.s32 $0xFFFFFF00  }
0xa0: {  	_ =	swait.ge [sflag:s3], $0x100  }
0xa1: {  	[sflag:s3] =	ssyncset.done $0x0  }
0xa2: {  	[sflag:s3] =	ssyncadd.s32 $0xFFFFFF00  }
0xa3: {  	_ =	swait.ge [sflag:s3], $0x100  }
0xa4: {  	[sflag:s3] =	ssyncset.done $0x0  }
0xa5: {  	[sflag:s3] =	ssyncadd.s32 $0xFFFFFF00  }
0xa6: {  	_ =	swait.ge [sflag:s3], $0x100  }
0xa7: {  	[sflag:s3] =	ssyncset.done $0x0  }
0xa8: {  	[sflag:s3] =	ssyncadd.s32 $0xFFFFFF00  }
0xa9: {  	_ =	swait.ge [sflag:s3], $0x100  }
0xaa: {  	[sflag:s3] =	ssyncset.done $0x0  }
0xab: {  	[sflag:s3] =	ssyncadd.s32 $0xFFFFFF00  }
0xac: {  	_ =	swait.ge [sflag:s3], $0x100  }
0xad: {  	[sflag:s3] =	ssyncset.done $0x0  }
0xae: {  	[sflag:s3] =	ssyncadd.s32 $0xFFFFFF00  }
0xaf: {  	_ =	swait.ge [sflag:s3], $0x100  }
0xb0: {  	[sflag:s3] =	ssyncset.done $0x0  }
0xb1: {  	[sflag:s3] =	ssyncadd.s32 $0xFFFFFF00  }
0xb2: {  	_ =	swait.ge [sflag:s3], $0x100  }
0xb3: {  	[sflag:s3] =	ssyncset.done $0x0  }
0xb4: {  	[sflag:s3] =	ssyncadd.s32 $0xFFFFFF00  }
0xb5: {  	_ =	swait.ge [sflag:s3], $0x100  }
0xb6: {  	[sflag:s3] =	ssyncset.done $0x0  }
0xb7: {  	[sflag:s3] =	ssyncadd.s32 $0xFFFFFF00  }
0xb8: {  	_ =	swait.ge [sflag:s3], $0x100  }
0xb9: {  	[sflag:s3] =	ssyncset.done $0x0  }
0xba: {  	s4 =	sadd.s32 $0x1, s4;
	[sflag:s3] =	ssyncadd.s32 $0xFFFFFF00  }
0xbb: {  	p0 =	sne.s32 s4, s29;
	_ =	swait.ge [sflag:s3], $0x100  }
.Ltmp2:
0xbc: {  	[sflag:s3] =	ssyncset.done $0x0;
	(pc) =	sbr.rel @p0 .LBB2_1-.Ltmp2, $4  }
0xbd: {  	[sflag:s3] =	ssyncadd.s32 $0xFFFFFF00  }
0xbe: {  	_ =	swait.ge [sflag:s3], $0x100  }
0xbf: {  	[sflag:s3] =	ssyncset.done $0x0  }
0xc0: {  	[sflag:s3] =	ssyncadd.s32 $0xFFFFFF00  }
0xc1: {  	_ =	sfence.sel $0x180000  }
0xc2: {  	[bflag:$0x0] =	sbarrier.arrive $0xFFFF  }
0xc3: {  	_ =	strace $0x90000047  }
0xc4: {  	s0 =	stileid.u32;
	[bflag:$0x2] =	sbarrier.arrive $0xFFFF  }
0xc5: {  	p0 =	sne.s32 s0, $0x0;
	s0 =	rddreg [dreg:$0x1]  }
0xc6: {  	s0 =	sadd.s32 @!p0 $0x100000, s0  }
0xc7: {  	[sflag:s0] =	ssyncadd.tile.s32 @!p0 $0x1;
	_ =	shalt  }
.Lfunc_end2:
_tile_overlayer_lowered:
.L_overlay_start_2:
0xc8: {  	(tag) =	ssettag $0x2  }
0xc9: {  	s0 =	rddreg [dreg:$0x0];
	s2 =	stileid.u32  }
0xca: {  	s1 =	rddreg [dreg:$0x1];
	p0 =	sne.s32 s2, $0x0  }
0xcb: {  	s3 =	rddreg [dreg:$0x2];
	[bflag:$0x3] =	sbarrier.arrive $0xFFFF;
	s2 =	simm.s32 @!p0 $0x1C02  }
0xcc: {  	[timem:s3], [sflag:s2] =	dma.local @!p0 [hbm:s0], s1  }
0xcd: {  	s0 =	simm.s32 @!p0 $0x2  }
0xce: {  	_ =	swait.ge @!p0 [sflag:s0], s1  }
0xcf: {  	s1 =	ssub.s32 @!p0 $0x0, s1;
	[sflag:s0] =	ssyncset.done @!p0 $0x0  }
0xd0: {  	[sflag:s0] =	ssyncadd.s32 @!p0 s1  }
0xd1: {  	[bflag:$0x3] =	sbarrier.arrive $0xFFFF  }
0xd2: {  	_ =	shalt  }

</sc_bundles>
